<compile_context>
chip_gen: v7x
topology: tpu7x:2x2x1
jax: 0.10.2.dev20260603
libtpu: 0.0.44.dev20260713+nightly
codegen_flags: <defaults>
</compile_context>

<pallas_src>
import functools

import jax
import jax.numpy as jnp
import numpy as np
from jax import lax
from jax.experimental import pallas as pl
from jax.experimental.pallas import tpu as pltpu
from jax.experimental.pallas import tpu_sc as plsc

_NM = 64
_B = 16384
_T = 256
_NBLK = _B // _T
_TS = 512
_NS = 96
_NSP = 104
_BP = (_NS + 1) * _TS
_EG = 8
_EPG = _NM // _EG
_D = 16
_NW = 32
_RW = _B // _NW
_CH = 128
_NCH = _RW // _CH


def _route_body(idx_ref, pos_ref, smap_ref, gs_ref, oh_ref, rank_ref):
  idx = idx_ref[...]
  ecol = lax.broadcasted_iota(jnp.int32, (_B, _NM), 1)
  oh = (idx == ecol).astype(jnp.float32)
  oh_ref[...] = oh

  row = lax.broadcasted_iota(jnp.int32, (_T, _T), 0)
  col = lax.broadcasted_iota(jnp.int32, (_T, _T), 1)
  lstrict = (row > col).astype(jnp.bfloat16)

  def blk_body(k, run):
    s = pl.multiple_of(k * _T, _T)
    blk = oh_ref[pl.ds(s, _T), :]
    cum = lax.dot(lstrict, blk.astype(jnp.bfloat16),
                  preferred_element_type=jnp.float32)
    rank_ref[pl.ds(s, _T), :] = cum + run
    return run + jnp.sum(blk, axis=0, keepdims=True)

  counts = lax.fori_loop(0, _NBLK, blk_body,
                         jnp.zeros((1, _NM), jnp.float32))
  padded = jnp.ceil(counts / _TS) * _TS
  erow = lax.broadcasted_iota(jnp.int32, (_NM, _NM), 0)
  ecol2 = lax.broadcasted_iota(jnp.int32, (_NM, _NM), 1)
  ustrict = (erow < ecol2).astype(jnp.bfloat16)
  padded8 = jnp.broadcast_to(padded, (16, _NM)).astype(jnp.bfloat16)
  base = lax.dot(padded8, ustrict,
                 preferred_element_type=jnp.float32)[0:1]

  posf = jnp.sum(oh * (rank_ref[...] + base), axis=1, keepdims=True)
  pos_ref[...] = posf.astype(jnp.int32)

  tstart = base / _TS
  srow = lax.broadcasted_iota(jnp.int32, (_NSP, _NM), 0).astype(jnp.float32)
  ge = (srow >= tstart).astype(jnp.float32)
  smap_ref[...] = (jnp.sum(ge, axis=1, keepdims=True) - 1.0).astype(jnp.int32)
  riota8 = lax.broadcasted_iota(jnp.int32, (16, _NM), 0)
  ecol8b = lax.broadcasted_iota(jnp.int32, (16, _NM), 1)
  gmask = (ecol8b < riota8 * _EPG).astype(jnp.float32)
  gs_ref[...] = (jnp.sum(jnp.broadcast_to(padded, (16, _NM)) * gmask,
                         axis=1, keepdims=True) / _TS).astype(jnp.int32)


def _route(idx2d):
  return pl.pallas_call(
      _route_body,
      out_shape=(
          jax.ShapeDtypeStruct((_B, 1), jnp.int32),
          jax.ShapeDtypeStruct((_NSP, 1), jnp.int32),
          jax.ShapeDtypeStruct((16, 1), jnp.int32),
      ),
      scratch_shapes=[
          pltpu.VMEM((_B, _NM), jnp.float32),
          pltpu.VMEM((_B, _NM), jnp.float32),
      ],
  )(idx2d)


def _sc_wid():
  return lax.axis_index("s") * 2 + lax.axis_index("c")


def _scatter_body(x_hbm, pos_hbm, xs_hbm, idx_v, rows_v, sem):
  w = _sc_wid()
  base = w * _RW
  pltpu.sync_copy(pos_hbm.at[pl.ds(w * _NCH, _NCH)], idx_v)
  pltpu.sync_copy(x_hbm.at[pl.ds(base, _RW)], rows_v)
  descs = []
  for j in range(_NCH):
    descs.append(
        pltpu.async_copy(rows_v.at[pl.ds(j * _CH, _CH)],
                         xs_hbm.at[idx_v.at[j]], sem))
  for d in descs:
    d.wait()


def _gather_body(ys_hbm, pos_hbm, out_hbm, idx_v, rows_v, sem):
  w = _sc_wid()
  base = w * _RW
  pltpu.sync_copy(pos_hbm.at[pl.ds(w * _NCH, _NCH)], idx_v)
  descs = []
  for j in range(_NCH):
    descs.append(
        pltpu.async_copy(ys_hbm.at[idx_v.at[j]],
                         rows_v.at[pl.ds(j * _CH, _CH)], sem))
  for d in descs:
    d.wait()
  pltpu.sync_copy(rows_v, out_hbm.at[pl.ds(base, _RW)])


@functools.lru_cache(maxsize=1)
def _sc_kernels():
  mesh = plsc.VectorSubcoreMesh(core_axis_name="c", subcore_axis_name="s")
  scratch = [
      pltpu.VMEM((_NCH, _CH), jnp.int32),
      pltpu.VMEM((_RW, _D), jnp.float32),
      pltpu.SemaphoreType.DMA,
  ]
  params = pltpu.CompilerParams(use_tc_tiling_on_sc=False)
  scatter = pl.kernel(
      _scatter_body,
      out_type=jax.ShapeDtypeStruct((_BP, _D), jnp.float32),
      mesh=mesh, scratch_types=scratch, compiler_params=params)
  gather = pl.kernel(
      _gather_body,
      out_type=jax.ShapeDtypeStruct((_B, _D), jnp.float32),
      mesh=mesh, scratch_types=scratch, compiler_params=params)
  return scatter, gather


def _dotg(a, b):
  return lax.dot_general(a, b, (((1,), (1,)), ((), ())),
                         preferred_element_type=jnp.float32)


def _mlp_body(smap_ref, gs_ref, xs_ref, w0_ref, b0_ref, wh_ref, bh_ref,
              wf_ref, bf_ref, ys_ref):
  b16 = jnp.bfloat16
  g = pl.program_id(0)
  lo = gs_ref[g]
  hi = gs_ref[g + 1]
  n2 = (hi - lo + 1) // 2

  def chain(s):
    e = smap_ref[s]
    el = jnp.clip(e - g * _EPG, 0, _EPG - 1)
    r0 = pl.multiple_of(s * _TS, _TS)
    x = xs_ref[pl.ds(r0, _TS), :].astype(b16)
    h = jnp.maximum(_dotg(x, w0_ref[e]) + b0_ref[e], 0.0).astype(b16)
    h = jnp.maximum(_dotg(h, wh_ref[el, 0]) + bh_ref[e, 0:1], 0.0).astype(b16)
    o1 = _dotg(h, wf_ref[e]) + bf_ref[e]
    h = jnp.maximum(_dotg(h, wh_ref[el, 1]) + bh_ref[e, 1:2], 0.0).astype(b16)
    h = jnp.maximum(_dotg(h, wh_ref[el, 2]) + bh_ref[e, 2:3], 0.0).astype(b16)
    o2 = _dotg(h, wf_ref[e]) + bf_ref[e]
    ys_ref[pl.ds(r0, _TS), :] = jnp.concatenate([o1, o2], axis=1)

  def pair(i, carry):
    chain(lo + 2 * i)
    chain(lo + 2 * i + 1)
    return carry

  lax.fori_loop(0, n2, pair, 0)


def _mlp(smap, gs, xs, w0p, b0r, wh, bhs, wfp, bfr):
  grid_spec = pltpu.PrefetchScalarGridSpec(
      num_scalar_prefetch=2,
      grid=(_EG,),
      in_specs=[
          pl.BlockSpec((_BP, _D), lambda g, m, n: (0, 0)),
          pl.BlockSpec((_NM, 256, _D), lambda g, m, n: (0, 0, 0)),
          pl.BlockSpec((_NM, 1, 256), lambda g, m, n: (0, 0, 0)),
          pl.BlockSpec((_EPG, 3, 256, 256), lambda g, m, n: (g, 0, 0, 0)),
          pl.BlockSpec((_NM, 3, 256), lambda g, m, n: (0, 0, 0)),
          pl.BlockSpec((_NM, 8, 256), lambda g, m, n: (0, 0, 0)),
          pl.BlockSpec((_NM, 1, 8), lambda g, m, n: (0, 0, 0)),
      ],
      out_specs=pl.BlockSpec((_BP, _D), lambda g, m, n: (0, 0)),
  )
  return pl.pallas_call(
      _mlp_body,
      grid_spec=grid_spec,
      out_shape=jax.ShapeDtypeStruct((_BP, _D), jnp.float32),
      compiler_params=pltpu.CompilerParams(vmem_limit_bytes=100 * 1024 * 1024),
  )(smap, gs, xs, w0p, b0r, wh, bhs, wfp, bfr)


def kernel(inputs, W0, b0, W1, b1, W2, b2, W3, b3, Wf, bf):
  angles = jnp.arctan2(inputs[:, 2], inputs[:, 0])
  angles = jnp.mod(angles + 2.0 * np.pi, 2.0 * np.pi) / (2.0 * np.pi) * _NM
  sel = jnp.floor(angles).astype(jnp.int32)

  pos, smap, gs = _route(sel.reshape(_B, 1))
  pos2 = pos.reshape(_NW * _NCH, _CH)

  scatter_rows, gather_rows = _sc_kernels()
  x16 = jnp.pad(inputs, ((0, 0), (0, _D - inputs.shape[1])))
  xs = scatter_rows(x16, pos2)

  b16 = jnp.bfloat16
  w0p = jnp.pad(W0, ((0, 0), (0, 0), (0, _D - W0.shape[2]))).astype(b16)
  wh = jnp.stack([W1, W2, W3], axis=1).astype(b16)
  bhs = jnp.stack([b1, b2, b3], axis=1)
  wfp = jnp.pad(Wf, ((0, 0), (0, 8 - Wf.shape[1]), (0, 0))).astype(b16)
  bfr = jnp.pad(bf, ((0, 0), (0, 8 - bf.shape[1]))).reshape(_NM, 1, 8)
  ys = _mlp(smap.reshape(_NSP), gs.reshape(16), xs,
            w0p, b0.reshape(_NM, 1, 256), wh, bhs, wfp, bfr)

  out16 = gather_rows(ys, pos2)
  model_outputs = jnp.stack([out16[:, 0:3], out16[:, 8:11]], axis=1)

  logits = jnp.ones((_B, _NM), dtype=inputs.dtype)
  probs = jax.nn.softmax(logits, axis=1)
  return (model_outputs, sel, logits, probs)

# --- scband reference (transcript-rebuilt; emitter-appended) ---
"""Pipeline reference for scband-multi-resnet-44152263803452 (READ-ONLY COPY).

The authoritative reference and input builder live on the scoring server;
editing this copy changes nothing except your own understanding.
"""

import jax, jax.numpy as jnp
import numpy as np

NUM_MODELS = 64
IN_FEATURES = 6
HIDDEN = 256
OUT_FEATURES = 3
LAYERS = 5
OUTPUT_EVERY = 2
BATCH = 16384


def setup_inputs(seed: int = 0) -> dict:
    key = jax.random.key(seed)
    ks = jax.random.split(key, 16)
    sqrt_k = float(np.sqrt(1.0 / NUM_MODELS))

    def u(k, shape):
        return 2.0 * sqrt_k * jax.random.uniform(k, shape, dtype=jnp.float32) - sqrt_k

    inp = {"inputs": jax.random.normal(ks[0], (BATCH, IN_FEATURES), dtype=jnp.float32)}
    dims = [(IN_FEATURES, HIDDEN), (HIDDEN, HIDDEN), (HIDDEN, HIDDEN), (HIDDEN, HIDDEN)]
    for i, (fi, fo) in enumerate(dims):
        inp[f"W{i}"] = u(ks[1 + 2 * i], (NUM_MODELS, fo, fi))
        inp[f"b{i}"] = u(ks[2 + 2 * i], (NUM_MODELS, fo))
    inp["Wf"] = u(ks[9], (NUM_MODELS, OUT_FEATURES, HIDDEN))
    inp["bf"] = u(ks[10], (NUM_MODELS, OUT_FEATURES))
    return inp


def _mrl(x, idx, W, b):
    # MultiResnetLinear: gather per-token expert weight matrix, batched matvec + bias
    w = jnp.take(W, idx, axis=0)          # [B, out, in]
    bias = jnp.take(b, idx, axis=0)       # [B, out]
    return jnp.einsum('boi,bi->bo', w, x) + bias


def reference(inputs, W0, b0, W1, b1, W2, b2, W3, b3, Wf, bf):
    # selection_mode == 'angle'
    angles = jnp.arctan2(inputs[:, 2], inputs[:, 0])
    angles = jnp.mod(angles + 2.0 * np.pi, 2.0 * np.pi) / (2.0 * np.pi) * NUM_MODELS
    selection_indices = jax.lax.stop_gradient(jnp.floor(angles).astype(jnp.int32))
    selection_logits = jnp.ones((inputs.shape[0], NUM_MODELS), dtype=inputs.dtype)
    selection_probabilities = jax.nn.softmax(selection_logits, axis=1)

    Ws = [W0, W1, W2, W3]
    bs = [b0, b1, b2, b3]
    model_outputs = []
    x = inputs
    for i in range(LAYERS - 1):
        x = _mrl(x, selection_indices, Ws[i], bs[i])
        x = jax.nn.relu(x)
        if (i + 1) % OUTPUT_EVERY == 0 and i != LAYERS - 2:
            model_outputs.append(_mrl(x, selection_indices, Wf, bf))
    model_outputs.append(_mrl(x, selection_indices, Wf, bf))
    model_outputs = jnp.stack(model_outputs, axis=1)  # [B, 2, 3]
    return (model_outputs, selection_indices, selection_logits, selection_probabilities)

if __name__ == "__main__":
    import jax
    _d = setup_inputs()
    print(jax.jit(kernel)(*tuple(_d.values())))

</pallas_src>

<mosaic_0001>
#map = affine_map<(d0, d1) -> (0, 0)>
module attributes {stable_mosaic.version = 14 : i64} {
  func.func @_gather_body(%arg0: i32, %arg1: i32, %arg2: memref<49664x16xf32, #tpu.memory_space<hbm>>, %arg3: memref<128x128xi32, #tpu.memory_space<hbm>>, %arg4: memref<16384x16xf32, #tpu.memory_space<hbm>>, %arg5: memref<4x128xi32, #tpu.memory_space<vmem>>, %arg6: memref<512x16xf32, #tpu.memory_space<vmem>>, %arg7: memref<!tpu.dma_semaphore, #tpu.memory_space<semaphore_mem>>) attributes {dimension_semantics = [#tpu.dimension_semantics<core_parallel>, #tpu.dimension_semantics<subcore_parallel>], iteration_bounds = array<i64: 2, 16>, scalar_prefetch = 0 : i64, scratch_operands = 3 : i64, tpu.core_type = #tpu.core_type<sc_vector_subcore>, window_params = [{transform_indices = #map}, {transform_indices = #map}, {transform_indices = #map}]} {
    %mul3A = arith.constant 2 : i32
    %mul3A_0 = arith.muli %arg1, %mul3A : i32
    %add3A = arith.addi %mul3A_0, %arg0 : i32
    %mul3A_1 = arith.constant 512 : i32
    %mul3A_2 = arith.muli %add3A, %mul3A_1 : i32
    %mul3A_3 = arith.constant 4 : i32
    %mul3A_4 = arith.muli %add3A, %mul3A_3 : i32
    "tpu.region"() ({
      %run_scoped3A = tpu.sem_alloc : memref<!tpu.dma_semaphore, #tpu.memory_space<semaphore_mem>>
      %dma_start3A_83 = arith.constant 0 : i32
      %dma_start3A_84 = tpu.memref_slice %arg3[%mul3A_4, %dma_start3A_83] : memref<128x128xi32, #tpu.memory_space<hbm>> -> memref<4x128xi32, #tpu.memory_space<hbm>>
      %dma_start3A_85 = arith.constant 0 : i32
      %dma_start3A_86 = tpu.memref_slice %arg3[%mul3A_4, %dma_start3A_85] : memref<128x128xi32, #tpu.memory_space<hbm>> -> memref<4x128xi32, #tpu.memory_space<hbm>>
      tpu.enqueue_dma source(%dma_start3A_86 : memref<4x128xi32, #tpu.memory_space<hbm>>) target(%arg5 : memref<4x128xi32, #tpu.memory_space<vmem>>) target_semaphore(%run_scoped3A : memref<!tpu.dma_semaphore, #tpu.memory_space<semaphore_mem>>)
      %dma_wait3A_87 = arith.constant 0 : i32
      %dma_wait3A_88 = tpu.memref_slice %arg3[%mul3A_4, %dma_wait3A_87] : memref<128x128xi32, #tpu.memory_space<hbm>> -> memref<4x128xi32, #tpu.memory_space<hbm>>
      %dma_wait3A_89 = arith.constant 0 : i32
      %dma_wait3A_90 = tpu.memref_slice %arg3[%mul3A_4, %dma_wait3A_89] : memref<128x128xi32, #tpu.memory_space<hbm>> -> memref<4x128xi32, #tpu.memory_space<hbm>>
      tpu.wait_dma2 semaphore(%run_scoped3A : memref<!tpu.dma_semaphore, #tpu.memory_space<semaphore_mem>>) src(%dma_wait3A_90 : memref<4x128xi32, #tpu.memory_space<hbm>>) dst(%arg5 : memref<4x128xi32, #tpu.memory_space<vmem>>)
      tpu.yield
    }) : () -> ()
    %dma_start3A = arith.constant 0 : i32
    %dma_start3A_5 = arith.constant 0 : i32
    %dma_start3A_6 = arith.constant 0 : i32
    %dma_start3A_7 = tpu.memref_slice %arg6[%dma_start3A_5, %dma_start3A_6] : memref<512x16xf32, #tpu.memory_space<vmem>> -> memref<128x16xf32, #tpu.memory_space<vmem>>
    %dma_start3A_8 = arith.constant 0 : i32
    %dma_start3A_9 = tpu.memref_slice %arg5[%dma_start3A, %dma_start3A_8] : memref<4x128xi32, #tpu.memory_space<vmem>> -> memref<1x128xi32, #tpu.memory_space<vmem>>
    %dma_start3A_10 = tpu.memref_squeeze %dma_start3A_9 : memref<1x128xi32, #tpu.memory_space<vmem>> -> memref<128xi32, #tpu.memory_space<vmem>>
    %dma_start3A_11 = arith.constant 0 : i32
    %dma_start3A_12 = arith.constant 0 : i32
    %dma_start3A_13 = tpu.memref_slice %arg2[%dma_start3A_11, %dma_start3A_12] : memref<49664x16xf32, #tpu.memory_space<hbm>> -> memref<49664x16xf32, #tpu.memory_space<hbm>>
    tpu.enqueue_indirect_dma source(%dma_start3A_13 : memref<49664x16xf32, #tpu.memory_space<hbm>>) target(%dma_start3A_7 : memref<128x16xf32, #tpu.memory_space<vmem>>) offsets(%dma_start3A_10 : memref<128xi32, #tpu.memory_space<vmem>>) semaphore(%arg7 : memref<!tpu.dma_semaphore, #tpu.memory_space<semaphore_mem>>)
    %dma_start3A_14 = arith.constant 1 : i32
    %dma_start3A_15 = arith.constant 128 : i32
    %dma_start3A_16 = arith.constant 0 : i32
    %dma_start3A_17 = tpu.memref_slice %arg6[%dma_start3A_15, %dma_start3A_16] : memref<512x16xf32, #tpu.memory_space<vmem>> -> memref<128x16xf32, #tpu.memory_space<vmem>>
    %dma_start3A_18 = arith.constant 0 : i32
    %dma_start3A_19 = tpu.memref_slice %arg5[%dma_start3A_14, %dma_start3A_18] : memref<4x128xi32, #tpu.memory_space<vmem>> -> memref<1x128xi32, #tpu.memory_space<vmem>>
    %dma_start3A_20 = tpu.memref_squeeze %dma_start3A_19 : memref<1x128xi32, #tpu.memory_space<vmem>> -> memref<128xi32, #tpu.memory_space<vmem>>
    %dma_start3A_21 = arith.constant 0 : i32
    %dma_start3A_22 = arith.constant 0 : i32
    %dma_start3A_23 = tpu.memref_slice %arg2[%dma_start3A_21, %dma_start3A_22] : memref<49664x16xf32, #tpu.memory_space<hbm>> -> memref<49664x16xf32, #tpu.memory_space<hbm>>
    tpu.enqueue_indirect_dma source(%dma_start3A_23 : memref<49664x16xf32, #tpu.memory_space<hbm>>) target(%dma_start3A_17 : memref<128x16xf32, #tpu.memory_space<vmem>>) offsets(%dma_start3A_20 : memref<128xi32, #tpu.memory_space<vmem>>) semaphore(%arg7 : memref<!tpu.dma_semaphore, #tpu.memory_space<semaphore_mem>>)
    %dma_start3A_24 = arith.constant 2 : i32
    %dma_start3A_25 = arith.constant 256 : i32
    %dma_start3A_26 = arith.constant 0 : i32
    %dma_start3A_27 = tpu.memref_slice %arg6[%dma_start3A_25, %dma_start3A_26] : memref<512x16xf32, #tpu.memory_space<vmem>> -> memref<128x16xf32, #tpu.memory_space<vmem>>
    %dma_start3A_28 = arith.constant 0 : i32
    %dma_start3A_29 = tpu.memref_slice %arg5[%dma_start3A_24, %dma_start3A_28] : memref<4x128xi32, #tpu.memory_space<vmem>> -> memref<1x128xi32, #tpu.memory_space<vmem>>
    %dma_start3A_30 = tpu.memref_squeeze %dma_start3A_29 : memref<1x128xi32, #tpu.memory_space<vmem>> -> memref<128xi32, #tpu.memory_space<vmem>>
    %dma_start3A_31 = arith.constant 0 : i32
    %dma_start3A_32 = arith.constant 0 : i32
    %dma_start3A_33 = tpu.memref_slice %arg2[%dma_start3A_31, %dma_start3A_32] : memref<49664x16xf32, #tpu.memory_space<hbm>> -> memref<49664x16xf32, #tpu.memory_space<hbm>>
    tpu.enqueue_indirect_dma source(%dma_start3A_33 : memref<49664x16xf32, #tpu.memory_space<hbm>>) target(%dma_start3A_27 : memref<128x16xf32, #tpu.memory_space<vmem>>) offsets(%dma_start3A_30 : memref<128xi32, #tpu.memory_space<vmem>>) semaphore(%arg7 : memref<!tpu.dma_semaphore, #tpu.memory_space<semaphore_mem>>)
    %dma_start3A_34 = arith.constant 3 : i32
    %dma_start3A_35 = arith.constant 384 : i32
    %dma_start3A_36 = arith.constant 0 : i32
    %dma_start3A_37 = tpu.memref_slice %arg6[%dma_start3A_35, %dma_start3A_36] : memref<512x16xf32, #tpu.memory_space<vmem>> -> memref<128x16xf32, #tpu.memory_space<vmem>>
    %dma_start3A_38 = arith.constant 0 : i32
    %dma_start3A_39 = tpu.memref_slice %arg5[%dma_start3A_34, %dma_start3A_38] : memref<4x128xi32, #tpu.memory_space<vmem>> -> memref<1x128xi32, #tpu.memory_space<vmem>>
    %dma_start3A_40 = tpu.memref_squeeze %dma_start3A_39 : memref<1x128xi32, #tpu.memory_space<vmem>> -> memref<128xi32, #tpu.memory_space<vmem>>
    %dma_start3A_41 = arith.constant 0 : i32
    %dma_start3A_42 = arith.constant 0 : i32
    %dma_start3A_43 = tpu.memref_slice %arg2[%dma_start3A_41, %dma_start3A_42] : memref<49664x16xf32, #tpu.memory_space<hbm>> -> memref<49664x16xf32, #tpu.memory_space<hbm>>
    tpu.enqueue_indirect_dma source(%dma_start3A_43 : memref<49664x16xf32, #tpu.memory_space<hbm>>) target(%dma_start3A_37 : memref<128x16xf32, #tpu.memory_space<vmem>>) offsets(%dma_start3A_40 : memref<128xi32, #tpu.memory_space<vmem>>) semaphore(%arg7 : memref<!tpu.dma_semaphore, #tpu.memory_space<semaphore_mem>>)
    %dma_wait3A = arith.constant 0 : i32
    %dma_wait3A_44 = arith.constant 0 : i32
    %dma_wait3A_45 = arith.constant 0 : i32
    %dma_wait3A_46 = tpu.memref_slice %arg6[%dma_wait3A_44, %dma_wait3A_45] : memref<512x16xf32, #tpu.memory_space<vmem>> -> memref<128x16xf32, #tpu.memory_space<vmem>>
    %dma_wait3A_47 = arith.constant 0 : i32
    %dma_wait3A_48 = tpu.memref_slice %arg5[%dma_wait3A, %dma_wait3A_47] : memref<4x128xi32, #tpu.memory_space<vmem>> -> memref<1x128xi32, #tpu.memory_space<vmem>>
    %dma_wait3A_49 = tpu.memref_squeeze %dma_wait3A_48 : memref<1x128xi32, #tpu.memory_space<vmem>> -> memref<128xi32, #tpu.memory_space<vmem>>
    %dma_wait3A_50 = arith.constant 0 : i32
    %dma_wait3A_51 = arith.constant 0 : i32
    %dma_wait3A_52 = tpu.memref_slice %arg2[%dma_wait3A_50, %dma_wait3A_51] : memref<49664x16xf32, #tpu.memory_space<hbm>> -> memref<49664x16xf32, #tpu.memory_space<hbm>>
    tpu.wait_indirect_dma semaphore(%arg7 : memref<!tpu.dma_semaphore, #tpu.memory_space<semaphore_mem>>) src(%dma_wait3A_52 : memref<49664x16xf32, #tpu.memory_space<hbm>>) dst(%dma_wait3A_46 : memref<128x16xf32, #tpu.memory_space<vmem>>)
    %dma_wait3A_53 = arith.constant 1 : i32
    %dma_wait3A_54 = arith.constant 128 : i32
    %dma_wait3A_55 = arith.constant 0 : i32
    %dma_wait3A_56 = tpu.memref_slice %arg6[%dma_wait3A_54, %dma_wait3A_55] : memref<512x16xf32, #tpu.memory_space<vmem>> -> memref<128x16xf32, #tpu.memory_space<vmem>>
    %dma_wait3A_57 = arith.constant 0 : i32
    %dma_wait3A_58 = tpu.memref_slice %arg5[%dma_wait3A_53, %dma_wait3A_57] : memref<4x128xi32, #tpu.memory_space<vmem>> -> memref<1x128xi32, #tpu.memory_space<vmem>>
    %dma_wait3A_59 = tpu.memref_squeeze %dma_wait3A_58 : memref<1x128xi32, #tpu.memory_space<vmem>> -> memref<128xi32, #tpu.memory_space<vmem>>
    %dma_wait3A_60 = arith.constant 0 : i32
    %dma_wait3A_61 = arith.constant 0 : i32
    %dma_wait3A_62 = tpu.memref_slice %arg2[%dma_wait3A_60, %dma_wait3A_61] : memref<49664x16xf32, #tpu.memory_space<hbm>> -> memref<49664x16xf32, #tpu.memory_space<hbm>>
    tpu.wait_indirect_dma semaphore(%arg7 : memref<!tpu.dma_semaphore, #tpu.memory_space<semaphore_mem>>) src(%dma_wait3A_62 : memref<49664x16xf32, #tpu.memory_space<hbm>>) dst(%dma_wait3A_56 : memref<128x16xf32, #tpu.memory_space<vmem>>)
    %dma_wait3A_63 = arith.constant 2 : i32
    %dma_wait3A_64 = arith.constant 256 : i32
    %dma_wait3A_65 = arith.constant 0 : i32
    %dma_wait3A_66 = tpu.memref_slice %arg6[%dma_wait3A_64, %dma_wait3A_65] : memref<512x16xf32, #tpu.memory_space<vmem>> -> memref<128x16xf32, #tpu.memory_space<vmem>>
    %dma_wait3A_67 = arith.constant 0 : i32
    %dma_wait3A_68 = tpu.memref_slice %arg5[%dma_wait3A_63, %dma_wait3A_67] : memref<4x128xi32, #tpu.memory_space<vmem>> -> memref<1x128xi32, #tpu.memory_space<vmem>>
    %dma_wait3A_69 = tpu.memref_squeeze %dma_wait3A_68 : memref<1x128xi32, #tpu.memory_space<vmem>> -> memref<128xi32, #tpu.memory_space<vmem>>
    %dma_wait3A_70 = arith.constant 0 : i32
    %dma_wait3A_71 = arith.constant 0 : i32
    %dma_wait3A_72 = tpu.memref_slice %arg2[%dma_wait3A_70, %dma_wait3A_71] : memref<49664x16xf32, #tpu.memory_space<hbm>> -> memref<49664x16xf32, #tpu.memory_space<hbm>>
    tpu.wait_indirect_dma semaphore(%arg7 : memref<!tpu.dma_semaphore, #tpu.memory_space<semaphore_mem>>) src(%dma_wait3A_72 : memref<49664x16xf32, #tpu.memory_space<hbm>>) dst(%dma_wait3A_66 : memref<128x16xf32, #tpu.memory_space<vmem>>)
    %dma_wait3A_73 = arith.constant 3 : i32
    %dma_wait3A_74 = arith.constant 384 : i32
    %dma_wait3A_75 = arith.constant 0 : i32
    %dma_wait3A_76 = tpu.memref_slice %arg6[%dma_wait3A_74, %dma_wait3A_75] : memref<512x16xf32, #tpu.memory_space<vmem>> -> memref<128x16xf32, #tpu.memory_space<vmem>>
    %dma_wait3A_77 = arith.constant 0 : i32
    %dma_wait3A_78 = tpu.memref_slice %arg5[%dma_wait3A_73, %dma_wait3A_77] : memref<4x128xi32, #tpu.memory_space<vmem>> -> memref<1x128xi32, #tpu.memory_space<vmem>>
    %dma_wait3A_79 = tpu.memref_squeeze %dma_wait3A_78 : memref<1x128xi32, #tpu.memory_space<vmem>> -> memref<128xi32, #tpu.memory_space<vmem>>
    %dma_wait3A_80 = arith.constant 0 : i32
    %dma_wait3A_81 = arith.constant 0 : i32
    %dma_wait3A_82 = tpu.memref_slice %arg2[%dma_wait3A_80, %dma_wait3A_81] : memref<49664x16xf32, #tpu.memory_space<hbm>> -> memref<49664x16xf32, #tpu.memory_space<hbm>>
    tpu.wait_indirect_dma semaphore(%arg7 : memref<!tpu.dma_semaphore, #tpu.memory_space<semaphore_mem>>) src(%dma_wait3A_82 : memref<49664x16xf32, #tpu.memory_space<hbm>>) dst(%dma_wait3A_76 : memref<128x16xf32, #tpu.memory_space<vmem>>)
    "tpu.region"() ({
      %run_scoped3A = tpu.sem_alloc : memref<!tpu.dma_semaphore, #tpu.memory_space<semaphore_mem>>
      %dma_start3A_83 = arith.constant 0 : i32
      %dma_start3A_84 = tpu.memref_slice %arg4[%mul3A_2, %dma_start3A_83] : memref<16384x16xf32, #tpu.memory_space<hbm>> -> memref<512x16xf32, #tpu.memory_space<hbm>>
      %dma_start3A_85 = arith.constant 0 : i32
      %dma_start3A_86 = tpu.memref_slice %arg4[%mul3A_2, %dma_start3A_85] : memref<16384x16xf32, #tpu.memory_space<hbm>> -> memref<512x16xf32, #tpu.memory_space<hbm>>
      tpu.enqueue_dma source(%arg6 : memref<512x16xf32, #tpu.memory_space<vmem>>) target(%dma_start3A_86 : memref<512x16xf32, #tpu.memory_space<hbm>>) target_semaphore(%run_scoped3A : memref<!tpu.dma_semaphore, #tpu.memory_space<semaphore_mem>>)
      %dma_wait3A_87 = arith.constant 0 : i32
      %dma_wait3A_88 = tpu.memref_slice %arg4[%mul3A_2, %dma_wait3A_87] : memref<16384x16xf32, #tpu.memory_space<hbm>> -> memref<512x16xf32, #tpu.memory_space<hbm>>
      %dma_wait3A_89 = arith.constant 0 : i32
      %dma_wait3A_90 = tpu.memref_slice %arg4[%mul3A_2, %dma_wait3A_89] : memref<16384x16xf32, #tpu.memory_space<hbm>> -> memref<512x16xf32, #tpu.memory_space<hbm>>
      tpu.wait_dma2 semaphore(%run_scoped3A : memref<!tpu.dma_semaphore, #tpu.memory_space<semaphore_mem>>) src(%arg6 : memref<512x16xf32, #tpu.memory_space<vmem>>) dst(%dma_wait3A_90 : memref<512x16xf32, #tpu.memory_space<hbm>>)
      tpu.yield
    }) : () -> ()
    return
  }
}

#map = affine_map<(d0, d1) -> (0, 0)>
module attributes {stable_mosaic.version = 14 : i64} {
  func.func @_scatter_body(%arg0: i32, %arg1: i32, %arg2: memref<16384x16xf32, #tpu.memory_space<hbm>>, %arg3: memref<128x128xi32, #tpu.memory_space<hbm>>, %arg4: memref<49664x16xf32, #tpu.memory_space<hbm>>, %arg5: memref<4x128xi32, #tpu.memory_space<vmem>>, %arg6: memref<512x16xf32, #tpu.memory_space<vmem>>, %arg7: memref<!tpu.dma_semaphore, #tpu.memory_space<semaphore_mem>>) attributes {dimension_semantics = [#tpu.dimension_semantics<core_parallel>, #tpu.dimension_semantics<subcore_parallel>], iteration_bounds = array<i64: 2, 16>, scalar_prefetch = 0 : i64, scratch_operands = 3 : i64, tpu.core_type = #tpu.core_type<sc_vector_subcore>, window_params = [{transform_indices = #map}, {transform_indices = #map}, {transform_indices = #map}]} {
    %mul3A = arith.constant 2 : i32
    %mul3A_0 = arith.muli %arg1, %mul3A : i32
    %add3A = arith.addi %mul3A_0, %arg0 : i32
    %mul3A_1 = arith.constant 512 : i32
    %mul3A_2 = arith.muli %add3A, %mul3A_1 : i32
    %mul3A_3 = arith.constant 4 : i32
    %mul3A_4 = arith.muli %add3A, %mul3A_3 : i32
    "tpu.region"() ({
      %run_scoped3A = tpu.sem_alloc : memref<!tpu.dma_semaphore, #tpu.memory_space<semaphore_mem>>
      %dma_start3A_83 = arith.constant 0 : i32
      %dma_start3A_84 = tpu.memref_slice %arg3[%mul3A_4, %dma_start3A_83] : memref<128x128xi32, #tpu.memory_space<hbm>> -> memref<4x128xi32, #tpu.memory_space<hbm>>
      %dma_start3A_85 = arith.constant 0 : i32
      %dma_start3A_86 = tpu.memref_slice %arg3[%mul3A_4, %dma_start3A_85] : memref<128x128xi32, #tpu.memory_space<hbm>> -> memref<4x128xi32, #tpu.memory_space<hbm>>
      tpu.enqueue_dma source(%dma_start3A_86 : memref<4x128xi32, #tpu.memory_space<hbm>>) target(%arg5 : memref<4x128xi32, #tpu.memory_space<vmem>>) target_semaphore(%run_scoped3A : memref<!tpu.dma_semaphore, #tpu.memory_space<semaphore_mem>>)
      %dma_wait3A_87 = arith.constant 0 : i32
      %dma_wait3A_88 = tpu.memref_slice %arg3[%mul3A_4, %dma_wait3A_87] : memref<128x128xi32, #tpu.memory_space<hbm>> -> memref<4x128xi32, #tpu.memory_space<hbm>>
      %dma_wait3A_89 = arith.constant 0 : i32
      %dma_wait3A_90 = tpu.memref_slice %arg3[%mul3A_4, %dma_wait3A_89] : memref<128x128xi32, #tpu.memory_space<hbm>> -> memref<4x128xi32, #tpu.memory_space<hbm>>
      tpu.wait_dma2 semaphore(%run_scoped3A : memref<!tpu.dma_semaphore, #tpu.memory_space<semaphore_mem>>) src(%dma_wait3A_90 : memref<4x128xi32, #tpu.memory_space<hbm>>) dst(%arg5 : memref<4x128xi32, #tpu.memory_space<vmem>>)
      tpu.yield
    }) : () -> ()
    "tpu.region"() ({
      %run_scoped3A = tpu.sem_alloc : memref<!tpu.dma_semaphore, #tpu.memory_space<semaphore_mem>>
      %dma_start3A_83 = arith.constant 0 : i32
      %dma_start3A_84 = tpu.memref_slice %arg2[%mul3A_2, %dma_start3A_83] : memref<16384x16xf32, #tpu.memory_space<hbm>> -> memref<512x16xf32, #tpu.memory_space<hbm>>
      %dma_start3A_85 = arith.constant 0 : i32
      %dma_start3A_86 = tpu.memref_slice %arg2[%mul3A_2, %dma_start3A_85] : memref<16384x16xf32, #tpu.memory_space<hbm>> -> memref<512x16xf32, #tpu.memory_space<hbm>>
      tpu.enqueue_dma source(%dma_start3A_86 : memref<512x16xf32, #tpu.memory_space<hbm>>) target(%arg6 : memref<512x16xf32, #tpu.memory_space<vmem>>) target_semaphore(%run_scoped3A : memref<!tpu.dma_semaphore, #tpu.memory_space<semaphore_mem>>)
      %dma_wait3A_87 = arith.constant 0 : i32
      %dma_wait3A_88 = tpu.memref_slice %arg2[%mul3A_2, %dma_wait3A_87] : memref<16384x16xf32, #tpu.memory_space<hbm>> -> memref<512x16xf32, #tpu.memory_space<hbm>>
      %dma_wait3A_89 = arith.constant 0 : i32
      %dma_wait3A_90 = tpu.memref_slice %arg2[%mul3A_2, %dma_wait3A_89] : memref<16384x16xf32, #tpu.memory_space<hbm>> -> memref<512x16xf32, #tpu.memory_space<hbm>>
      tpu.wait_dma2 semaphore(%run_scoped3A : memref<!tpu.dma_semaphore, #tpu.memory_space<semaphore_mem>>) src(%dma_wait3A_90 : memref<512x16xf32, #tpu.memory_space<hbm>>) dst(%arg6 : memref<512x16xf32, #tpu.memory_space<vmem>>)
      tpu.yield
    }) : () -> ()
    %dma_start3A = arith.constant 0 : i32
    %dma_start3A_5 = arith.constant 0 : i32
    %dma_start3A_6 = arith.constant 0 : i32
    %dma_start3A_7 = tpu.memref_slice %arg6[%dma_start3A_5, %dma_start3A_6] : memref<512x16xf32, #tpu.memory_space<vmem>> -> memref<128x16xf32, #tpu.memory_space<vmem>>
    %dma_start3A_8 = arith.constant 0 : i32
    %dma_start3A_9 = tpu.memref_slice %arg5[%dma_start3A, %dma_start3A_8] : memref<4x128xi32, #tpu.memory_space<vmem>> -> memref<1x128xi32, #tpu.memory_space<vmem>>
    %dma_start3A_10 = tpu.memref_squeeze %dma_start3A_9 : memref<1x128xi32, #tpu.memory_space<vmem>> -> memref<128xi32, #tpu.memory_space<vmem>>
    %dma_start3A_11 = arith.constant 0 : i32
    %dma_start3A_12 = arith.constant 0 : i32
    %dma_start3A_13 = tpu.memref_slice %arg4[%dma_start3A_11, %dma_start3A_12] : memref<49664x16xf32, #tpu.memory_space<hbm>> -> memref<49664x16xf32, #tpu.memory_space<hbm>>
    tpu.enqueue_indirect_dma source(%dma_start3A_7 : memref<128x16xf32, #tpu.memory_space<vmem>>) target(%dma_start3A_13 : memref<49664x16xf32, #tpu.memory_space<hbm>>) offsets(%dma_start3A_10 : memref<128xi32, #tpu.memory_space<vmem>>) semaphore(%arg7 : memref<!tpu.dma_semaphore, #tpu.memory_space<semaphore_mem>>)
    %dma_start3A_14 = arith.constant 1 : i32
    %dma_start3A_15 = arith.constant 128 : i32
    %dma_start3A_16 = arith.constant 0 : i32
    %dma_start3A_17 = tpu.memref_slice %arg6[%dma_start3A_15, %dma_start3A_16] : memref<512x16xf32, #tpu.memory_space<vmem>> -> memref<128x16xf32, #tpu.memory_space<vmem>>
    %dma_start3A_18 = arith.constant 0 : i32
    %dma_start3A_19 = tpu.memref_slice %arg5[%dma_start3A_14, %dma_start3A_18] : memref<4x128xi32, #tpu.memory_space<vmem>> -> memref<1x128xi32, #tpu.memory_space<vmem>>
    %dma_start3A_20 = tpu.memref_squeeze %dma_start3A_19 : memref<1x128xi32, #tpu.memory_space<vmem>> -> memref<128xi32, #tpu.memory_space<vmem>>
    %dma_start3A_21 = arith.constant 0 : i32
    %dma_start3A_22 = arith.constant 0 : i32
    %dma_start3A_23 = tpu.memref_slice %arg4[%dma_start3A_21, %dma_start3A_22] : memref<49664x16xf32, #tpu.memory_space<hbm>> -> memref<49664x16xf32, #tpu.memory_space<hbm>>
    tpu.enqueue_indirect_dma source(%dma_start3A_17 : memref<128x16xf32, #tpu.memory_space<vmem>>) target(%dma_start3A_23 : memref<49664x16xf32, #tpu.memory_space<hbm>>) offsets(%dma_start3A_20 : memref<128xi32, #tpu.memory_space<vmem>>) semaphore(%arg7 : memref<!tpu.dma_semaphore, #tpu.memory_space<semaphore_mem>>)
    %dma_start3A_24 = arith.constant 2 : i32
    %dma_start3A_25 = arith.constant 256 : i32
    %dma_start3A_26 = arith.constant 0 : i32
    %dma_start3A_27 = tpu.memref_slice %arg6[%dma_start3A_25, %dma_start3A_26] : memref<512x16xf32, #tpu.memory_space<vmem>> -> memref<128x16xf32, #tpu.memory_space<vmem>>
    %dma_start3A_28 = arith.constant 0 : i32
    %dma_start3A_29 = tpu.memref_slice %arg5[%dma_start3A_24, %dma_start3A_28] : memref<4x128xi32, #tpu.memory_space<vmem>> -> memref<1x128xi32, #tpu.memory_space<vmem>>
    %dma_start3A_30 = tpu.memref_squeeze %dma_start3A_29 : memref<1x128xi32, #tpu.memory_space<vmem>> -> memref<128xi32, #tpu.memory_space<vmem>>
    %dma_start3A_31 = arith.constant 0 : i32
    %dma_start3A_32 = arith.constant 0 : i32
    %dma_start3A_33 = tpu.memref_slice %arg4[%dma_start3A_31, %dma_start3A_32] : memref<49664x16xf32, #tpu.memory_space<hbm>> -> memref<49664x16xf32, #tpu.memory_space<hbm>>
    tpu.enqueue_indirect_dma source(%dma_start3A_27 : memref<128x16xf32, #tpu.memory_space<vmem>>) target(%dma_start3A_33 : memref<49664x16xf32, #tpu.memory_space<hbm>>) offsets(%dma_start3A_30 : memref<128xi32, #tpu.memory_space<vmem>>) semaphore(%arg7 : memref<!tpu.dma_semaphore, #tpu.memory_space<semaphore_mem>>)
    %dma_start3A_34 = arith.constant 3 : i32
    %dma_start3A_35 = arith.constant 384 : i32
    %dma_start3A_36 = arith.constant 0 : i32
    %dma_start3A_37 = tpu.memref_slice %arg6[%dma_start3A_35, %dma_start3A_36] : memref<512x16xf32, #tpu.memory_space<vmem>> -> memref<128x16xf32, #tpu.memory_space<vmem>>
    %dma_start3A_38 = arith.constant 0 : i32
    %dma_start3A_39 = tpu.memref_slice %arg5[%dma_start3A_34, %dma_start3A_38] : memref<4x128xi32, #tpu.memory_space<vmem>> -> memref<1x128xi32, #tpu.memory_space<vmem>>
    %dma_start3A_40 = tpu.memref_squeeze %dma_start3A_39 : memref<1x128xi32, #tpu.memory_space<vmem>> -> memref<128xi32, #tpu.memory_space<vmem>>
    %dma_start3A_41 = arith.constant 0 : i32
    %dma_start3A_42 = arith.constant 0 : i32
    %dma_start3A_43 = tpu.memref_slice %arg4[%dma_start3A_41, %dma_start3A_42] : memref<49664x16xf32, #tpu.memory_space<hbm>> -> memref<49664x16xf32, #tpu.memory_space<hbm>>
    tpu.enqueue_indirect_dma source(%dma_start3A_37 : memref<128x16xf32, #tpu.memory_space<vmem>>) target(%dma_start3A_43 : memref<49664x16xf32, #tpu.memory_space<hbm>>) offsets(%dma_start3A_40 : memref<128xi32, #tpu.memory_space<vmem>>) semaphore(%arg7 : memref<!tpu.dma_semaphore, #tpu.memory_space<semaphore_mem>>)
    %dma_wait3A = arith.constant 0 : i32
    %dma_wait3A_44 = arith.constant 0 : i32
    %dma_wait3A_45 = arith.constant 0 : i32
    %dma_wait3A_46 = tpu.memref_slice %arg6[%dma_wait3A_44, %dma_wait3A_45] : memref<512x16xf32, #tpu.memory_space<vmem>> -> memref<128x16xf32, #tpu.memory_space<vmem>>
    %dma_wait3A_47 = arith.constant 0 : i32
    %dma_wait3A_48 = tpu.memref_slice %arg5[%dma_wait3A, %dma_wait3A_47] : memref<4x128xi32, #tpu.memory_space<vmem>> -> memref<1x128xi32, #tpu.memory_space<vmem>>
    %dma_wait3A_49 = tpu.memref_squeeze %dma_wait3A_48 : memref<1x128xi32, #tpu.memory_space<vmem>> -> memref<128xi32, #tpu.memory_space<vmem>>
    %dma_wait3A_50 = arith.constant 0 : i32
    %dma_wait3A_51 = arith.constant 0 : i32
    %dma_wait3A_52 = tpu.memref_slice %arg4[%dma_wait3A_50, %dma_wait3A_51] : memref<49664x16xf32, #tpu.memory_space<hbm>> -> memref<49664x16xf32, #tpu.memory_space<hbm>>
    tpu.wait_indirect_dma semaphore(%arg7 : memref<!tpu.dma_semaphore, #tpu.memory_space<semaphore_mem>>) src(%dma_wait3A_46 : memref<128x16xf32, #tpu.memory_space<vmem>>) dst(%dma_wait3A_52 : memref<49664x16xf32, #tpu.memory_space<hbm>>)
    %dma_wait3A_53 = arith.constant 1 : i32
    %dma_wait3A_54 = arith.constant 128 : i32
    %dma_wait3A_55 = arith.constant 0 : i32
    %dma_wait3A_56 = tpu.memref_slice %arg6[%dma_wait3A_54, %dma_wait3A_55] : memref<512x16xf32, #tpu.memory_space<vmem>> -> memref<128x16xf32, #tpu.memory_space<vmem>>
    %dma_wait3A_57 = arith.constant 0 : i32
    %dma_wait3A_58 = tpu.memref_slice %arg5[%dma_wait3A_53, %dma_wait3A_57] : memref<4x128xi32, #tpu.memory_space<vmem>> -> memref<1x128xi32, #tpu.memory_space<vmem>>
    %dma_wait3A_59 = tpu.memref_squeeze %dma_wait3A_58 : memref<1x128xi32, #tpu.memory_space<vmem>> -> memref<128xi32, #tpu.memory_space<vmem>>
    %dma_wait3A_60 = arith.constant 0 : i32
    %dma_wait3A_61 = arith.constant 0 : i32
    %dma_wait3A_62 = tpu.memref_slice %arg4[%dma_wait3A_60, %dma_wait3A_61] : memref<49664x16xf32, #tpu.memory_space<hbm>> -> memref<49664x16xf32, #tpu.memory_space<hbm>>
    tpu.wait_indirect_dma semaphore(%arg7 : memref<!tpu.dma_semaphore, #tpu.memory_space<semaphore_mem>>) src(%dma_wait3A_56 : memref<128x16xf32, #tpu.memory_space<vmem>>) dst(%dma_wait3A_62 : memref<49664x16xf32, #tpu.memory_space<hbm>>)
    %dma_wait3A_63 = arith.constant 2 : i32
    %dma_wait3A_64 = arith.constant 256 : i32
    %dma_wait3A_65 = arith.constant 0 : i32
    %dma_wait3A_66 = tpu.memref_slice %arg6[%dma_wait3A_64, %dma_wait3A_65] : memref<512x16xf32, #tpu.memory_space<vmem>> -> memref<128x16xf32, #tpu.memory_space<vmem>>
    %dma_wait3A_67 = arith.constant 0 : i32
    %dma_wait3A_68 = tpu.memref_slice %arg5[%dma_wait3A_63, %dma_wait3A_67] : memref<4x128xi32, #tpu.memory_space<vmem>> -> memref<1x128xi32, #tpu.memory_space<vmem>>
    %dma_wait3A_69 = tpu.memref_squeeze %dma_wait3A_68 : memref<1x128xi32, #tpu.memory_space<vmem>> -> memref<128xi32, #tpu.memory_space<vmem>>
    %dma_wait3A_70 = arith.constant 0 : i32
    %dma_wait3A_71 = arith.constant 0 : i32
    %dma_wait3A_72 = tpu.memref_slice %arg4[%dma_wait3A_70, %dma_wait3A_71] : memref<49664x16xf32, #tpu.memory_space<hbm>> -> memref<49664x16xf32, #tpu.memory_space<hbm>>
    tpu.wait_indirect_dma semaphore(%arg7 : memref<!tpu.dma_semaphore, #tpu.memory_space<semaphore_mem>>) src(%dma_wait3A_66 : memref<128x16xf32, #tpu.memory_space<vmem>>) dst(%dma_wait3A_72 : memref<49664x16xf32, #tpu.memory_space<hbm>>)
    %dma_wait3A_73 = arith.constant 3 : i32
    %dma_wait3A_74 = arith.constant 384 : i32
    %dma_wait3A_75 = arith.constant 0 : i32
    %dma_wait3A_76 = tpu.memref_slice %arg6[%dma_wait3A_74, %dma_wait3A_75] : memref<512x16xf32, #tpu.memory_space<vmem>> -> memref<128x16xf32, #tpu.memory_space<vmem>>
    %dma_wait3A_77 = arith.constant 0 : i32
    %dma_wait3A_78 = tpu.memref_slice %arg5[%dma_wait3A_73, %dma_wait3A_77] : memref<4x128xi32, #tpu.memory_space<vmem>> -> memref<1x128xi32, #tpu.memory_space<vmem>>
    %dma_wait3A_79 = tpu.memref_squeeze %dma_wait3A_78 : memref<1x128xi32, #tpu.memory_space<vmem>> -> memref<128xi32, #tpu.memory_space<vmem>>
    %dma_wait3A_80 = arith.constant 0 : i32
    %dma_wait3A_81 = arith.constant 0 : i32
    %dma_wait3A_82 = tpu.memref_slice %arg4[%dma_wait3A_80, %dma_wait3A_81] : memref<49664x16xf32, #tpu.memory_space<hbm>> -> memref<49664x16xf32, #tpu.memory_space<hbm>>
    tpu.wait_indirect_dma semaphore(%arg7 : memref<!tpu.dma_semaphore, #tpu.memory_space<semaphore_mem>>) src(%dma_wait3A_76 : memref<128x16xf32, #tpu.memory_space<vmem>>) dst(%dma_wait3A_82 : memref<49664x16xf32, #tpu.memory_space<hbm>>)
    return
  }
}

module attributes {stable_mosaic.version = 14 : i64} {
  func.func @_route_body(%arg0: memref<16384x1xi32, #tpu.memory_space<vmem>>, %arg1: memref<16384x1xi32, #tpu.memory_space<vmem>>, %arg2: memref<104x1xi32, #tpu.memory_space<vmem>>, %arg3: memref<16x1xi32, #tpu.memory_space<vmem>>, %arg4: memref<16384x64xf32, #tpu.memory_space<vmem>>, %arg5: memref<16384x64xf32, #tpu.memory_space<vmem>>) attributes {dimension_semantics = [], scalar_prefetch = 0 : i64, scratch_operands = 2 : i64, tpu.core_type = #tpu.core_type<tc>} {
    %get3A = arith.constant 0 : index
    %get3A_0 = arith.constant 0 : index
    %get3A_1 = vector.load %arg0[%get3A, %get3A_0] : memref<16384x1xi32, #tpu.memory_space<vmem>>, vector<16384x1xi32>
    %iota3A = tpu.iota {dimensions = array<i32: 1>} : vector<16384x64xi32>
    %eq3A = vector.broadcast %get3A_1 : vector<16384x1xi32> to vector<16384x64xi32>
    %eq3A_2 = arith.cmpi eq, %eq3A, %iota3A : vector<16384x64xi32>
    %convert_element_type3A = arith.extui %eq3A_2 : vector<16384x64xi1> to vector<16384x64xi32>
    %convert_element_type3A_3 = arith.sitofp %convert_element_type3A : vector<16384x64xi32> to vector<16384x64xf32>
    %swap3A = arith.constant 0 : index
    %swap3A_4 = arith.constant 0 : index
    %swap3A_5 = vector.load %arg4[%swap3A, %swap3A_4] : memref<16384x64xf32, #tpu.memory_space<vmem>>, vector<16384x64xf32>
    tpu.vector_store %arg4[%swap3A, %swap3A_4], %convert_element_type3A_3 {strides = array<i32>} : memref<16384x64xf32, #tpu.memory_space<vmem>>, vector<16384x64xf32>,
    %iota3A_6 = tpu.iota {dimensions = array<i32: 0>} : vector<256x256xi32>
    %iota3A_7 = tpu.iota {dimensions = array<i32: 1>} : vector<256x256xi32>
    %gt3A = arith.cmpi sgt, %iota3A_6, %iota3A_7 : vector<256x256xi32>
    %convert_element_type3A_8 = arith.extui %gt3A : vector<256x256xi1> to vector<256x256xi32>
    %convert_element_type3A_9 = arith.sitofp %convert_element_type3A_8 : vector<256x256xi32> to vector<256x256xf32>
    %convert_element_type3A_10 = arith.truncf %convert_element_type3A_9 : vector<256x256xf32> to vector<256x256xbf16>
    %broadcast_in_dim3A = arith.constant 0.000000e+00 : f32
    %broadcast_in_dim3A_11 = vector.broadcast %broadcast_in_dim3A : f32 to vector<1x64xf32>
    %scan3A = arith.constant 0 : i32
    %scan3A_12 = arith.constant 64 : i32
    %scan3A_13 = arith.addi %scan3A, %scan3A_12 : i32
    %scan3A_14 = arith.constant 1 : i32
    %scan3A_15 = scf.for %scan3A_79 = %scan3A to %scan3A_13 step %scan3A_14 iter_args(%scan3A_80 = %broadcast_in_dim3A_11) -> (vector<1x64xf32>)  : i32 {
      %mul3A_81 = arith.constant 256 : i32
      %mul3A_82 = arith.muli %scan3A_79, %mul3A_81 : i32
      %multiple_of3A = tpu.assume_multiple %mul3A_82, 256 : i32
      %get3A_83 = arith.index_cast %multiple_of3A : i32 to index
      %get3A_84 = arith.constant 0 : index
      %get3A_85 = vector.load %arg4[%get3A_83, %get3A_84] : memref<16384x64xf32, #tpu.memory_space<vmem>>, vector<256x64xf32>
      %convert_element_type3A_86 = arith.truncf %get3A_85 : vector<256x64xf32> to vector<256x64xbf16>
      %dot_general3A_87 = arith.constant dense<0.000000e+00> : vector<256x64xf32>
      %dot_general3A_88 = tpu.matmul %convert_element_type3A_10, %convert_element_type3A_86, %dot_general3A_87 {dimension_numbers = #tpu.dot_dimension_numbers<[1], [0], [0], [1], [0, 0, 1, 1], [], []>, transpose_lhs_hint = false} : vector<256x256xbf16>, vector<256x64xbf16>, vector<256x64xf32> -> vector<256x64xf32>
      %add3A_89 = vector.broadcast %scan3A_80 : vector<1x64xf32> to vector<256x64xf32>
      %add3A_90 = arith.addf %dot_general3A_88, %add3A_89 : vector<256x64xf32>
      %swap3A_91 = arith.index_cast %multiple_of3A : i32 to index
      %swap3A_92 = arith.constant 0 : index
      %swap3A_93 = vector.load %arg5[%swap3A_91, %swap3A_92] : memref<16384x64xf32, #tpu.memory_space<vmem>>, vector<256x64xf32>
      tpu.vector_store %arg5[%swap3A_91, %swap3A_92], %add3A_90 {strides = array<i32>} : memref<16384x64xf32, #tpu.memory_space<vmem>>, vector<256x64xf32>,
      %reduce_sum3A_94 = arith.constant dense<0.000000e+00> : vector<64xf32>
      %reduce_sum3A_95 = vector.multi_reduction <add>, %get3A_85, %reduce_sum3A_94 [0] : vector<256x64xf32> to vector<64xf32>
      %broadcast_in_dim3A_96 = vector.shape_cast %reduce_sum3A_95 : vector<64xf32> to vector<1x64xf32>
      %add3A_97 = arith.addf %scan3A_80, %broadcast_in_dim3A_96 : vector<1x64xf32>
      scf.yield %add3A_97 : vector<1x64xf32>
    }
    %scan3A_16 = arith.constant 64 : i32
    %div3A = arith.constant 5.120000e+02 : f32
    %div3A_17 = vector.broadcast %div3A : f32 to vector<1x64xf32>
    %div3A_18 = arith.divf %scan3A_15, %div3A_17 : vector<1x64xf32>
    %ceil3A = math.ceil %div3A_18 : vector<1x64xf32>
    %mul3A = arith.constant 5.120000e+02 : f32
    %mul3A_19 = vector.broadcast %mul3A : f32 to vector<1x64xf32>
    %mul3A_20 = arith.mulf %ceil3A, %mul3A_19 : vector<1x64xf32>
    %iota3A_21 = tpu.iota {dimensions = array<i32: 0>} : vector<64x64xi32>
    %iota3A_22 = tpu.iota {dimensions = array<i32: 1>} : vector<64x64xi32>
    %lt3A = arith.cmpi slt, %iota3A_21, %iota3A_22 : vector<64x64xi32>
    %convert_element_type3A_23 = arith.extui %lt3A : vector<64x64xi1> to vector<64x64xi32>
    %convert_element_type3A_24 = arith.sitofp %convert_element_type3A_23 : vector<64x64xi32> to vector<64x64xf32>
    %convert_element_type3A_25 = arith.truncf %convert_element_type3A_24 : vector<64x64xf32> to vector<64x64xbf16>
    %broadcast_in_dim3A_26 = vector.shape_cast %mul3A_20 : vector<1x64xf32> to vector<1x64xf32>
    %broadcast_in_dim3A_27 = vector.broadcast %broadcast_in_dim3A_26 : vector<1x64xf32> to vector<16x64xf32>
    %convert_element_type3A_28 = arith.truncf %broadcast_in_dim3A_27 : vector<16x64xf32> to vector<16x64xbf16>
    %dot_general3A = arith.constant dense<0.000000e+00> : vector<16x64xf32>
    %dot_general3A_29 = tpu.matmul %convert_element_type3A_28, %convert_element_type3A_25, %dot_general3A {dimension_numbers = #tpu.dot_dimension_numbers<[1], [0], [0], [1], [0, 0, 1, 1], [], []>, transpose_lhs_hint = false} : vector<16x64xbf16>, vector<64x64xbf16>, vector<16x64xf32> -> vector<16x64xf32>
    %slice3A = vector.extract_strided_slice %dot_general3A_29 {offsets = [0, 0], sizes = [1, 64], strides = [1, 1]} : vector<16x64xf32> to vector<1x64xf32>
    %get3A_30 = arith.constant 0 : index
    %get3A_31 = arith.constant 0 : index
    %get3A_32 = vector.load %arg5[%get3A_30, %get3A_31] : memref<16384x64xf32, #tpu.memory_space<vmem>>, vector<16384x64xf32>
    %add3A = vector.broadcast %slice3A : vector<1x64xf32> to vector<16384x64xf32>
    %add3A_33 = arith.addf %get3A_32, %add3A : vector<16384x64xf32>
    %mul3A_34 = arith.mulf %convert_element_type3A_3, %add3A_33 : vector<16384x64xf32>
    %reduce_sum3A = arith.constant dense<0.000000e+00> : vector<16384xf32>
    %reduce_sum3A_35 = vector.multi_reduction <add>, %mul3A_34, %reduce_sum3A [1] : vector<16384x64xf32> to vector<16384xf32>
    %broadcast_in_dim3A_36 = vector.shape_cast %reduce_sum3A_35 : vector<16384xf32> to vector<16384x1xf32>
    %convert_element_type3A_37 = arith.fptosi %broadcast_in_dim3A_36 : vector<16384x1xf32> to vector<16384x1xi32>
    %swap3A_38 = arith.constant 0 : index
    %swap3A_39 = arith.constant 0 : index
    %swap3A_40 = vector.load %arg1[%swap3A_38, %swap3A_39] : memref<16384x1xi32, #tpu.memory_space<vmem>>, vector<16384x1xi32>
    tpu.vector_store %arg1[%swap3A_38, %swap3A_39], %convert_element_type3A_37 {strides = array<i32>} : memref<16384x1xi32, #tpu.memory_space<vmem>>, vector<16384x1xi32>,
    %div3A_41 = arith.constant 5.120000e+02 : f32
    %div3A_42 = vector.broadcast %div3A_41 : f32 to vector<1x64xf32>
    %div3A_43 = arith.divf %slice3A, %div3A_42 : vector<1x64xf32>
    %iota3A_44 = tpu.iota {dimensions = array<i32: 0>} : vector<104x64xi32>
    %convert_element_type3A_45 = arith.sitofp %iota3A_44 : vector<104x64xi32> to vector<104x64xf32>
    %ge3A = vector.broadcast %div3A_43 : vector<1x64xf32> to vector<104x64xf32>
    %ge3A_46 = arith.cmpf oge, %convert_element_type3A_45, %ge3A : vector<104x64xf32>
    %convert_element_type3A_47 = arith.extui %ge3A_46 : vector<104x64xi1> to vector<104x64xi32>
    %convert_element_type3A_48 = arith.sitofp %convert_element_type3A_47 : vector<104x64xi32> to vector<104x64xf32>
    %reduce_sum3A_49 = arith.constant dense<0.000000e+00> : vector<104xf32>
    %reduce_sum3A_50 = vector.multi_reduction <add>, %convert_element_type3A_48, %reduce_sum3A_49 [1] : vector<104x64xf32> to vector<104xf32>
    %broadcast_in_dim3A_51 = vector.shape_cast %reduce_sum3A_50 : vector<104xf32> to vector<104x1xf32>
    %sub3A = arith.constant 1.000000e+00 : f32
    %sub3A_52 = vector.broadcast %sub3A : f32 to vector<104x1xf32>
    %sub3A_53 = arith.subf %broadcast_in_dim3A_51, %sub3A_52 : vector<104x1xf32>
    %convert_element_type3A_54 = arith.fptosi %sub3A_53 : vector<104x1xf32> to vector<104x1xi32>
    %swap3A_55 = arith.constant 0 : index
    %swap3A_56 = arith.constant 0 : index
    %swap3A_57 = vector.load %arg2[%swap3A_55, %swap3A_56] : memref<104x1xi32, #tpu.memory_space<vmem>>, vector<104x1xi32>
    tpu.vector_store %arg2[%swap3A_55, %swap3A_56], %convert_element_type3A_54 {strides = array<i32>} : memref<104x1xi32, #tpu.memory_space<vmem>>, vector<104x1xi32>,
    %iota3A_58 = tpu.iota {dimensions = array<i32: 0>} : vector<16x64xi32>
    %iota3A_59 = tpu.iota {dimensions = array<i32: 1>} : vector<16x64xi32>
    %mul3A_60 = arith.constant 8 : i32
    %mul3A_61 = vector.broadcast %mul3A_60 : i32 to vector<16x64xi32>
    %mul3A_62 = arith.muli %iota3A_58, %mul3A_61 : vector<16x64xi32>
    %lt3A_63 = arith.cmpi slt, %iota3A_59, %mul3A_62 : vector<16x64xi32>
    %convert_element_type3A_64 = arith.extui %lt3A_63 : vector<16x64xi1> to vector<16x64xi32>
    %convert_element_type3A_65 = arith.sitofp %convert_element_type3A_64 : vector<16x64xi32> to vector<16x64xf32>
    %broadcast_in_dim3A_66 = vector.shape_cast %mul3A_20 : vector<1x64xf32> to vector<1x64xf32>
    %broadcast_in_dim3A_67 = vector.broadcast %broadcast_in_dim3A_66 : vector<1x64xf32> to vector<16x64xf32>
    %mul3A_68 = arith.mulf %broadcast_in_dim3A_67, %convert_element_type3A_65 : vector<16x64xf32>
    %reduce_sum3A_69 = arith.constant dense<0.000000e+00> : vector<16xf32>
    %reduce_sum3A_70 = vector.multi_reduction <add>, %mul3A_68, %reduce_sum3A_69 [1] : vector<16x64xf32> to vector<16xf32>
    %broadcast_in_dim3A_71 = vector.shape_cast %reduce_sum3A_70 : vector<16xf32> to vector<16x1xf32>
    %div3A_72 = arith.constant 5.120000e+02 : f32
    %div3A_73 = vector.broadcast %div3A_72 : f32 to vector<16x1xf32>
    %div3A_74 = arith.divf %broadcast_in_dim3A_71, %div3A_73 : vector<16x1xf32>
    %convert_element_type3A_75 = arith.fptosi %div3A_74 : vector<16x1xf32> to vector<16x1xi32>
    %swap3A_76 = arith.constant 0 : index
    %swap3A_77 = arith.constant 0 : index
    %swap3A_78 = vector.load %arg3[%swap3A_76, %swap3A_77] : memref<16x1xi32, #tpu.memory_space<vmem>>, vector<16x1xi32>
    tpu.vector_store %arg3[%swap3A_76, %swap3A_77], %convert_element_type3A_75 {strides = array<i32>} : memref<16x1xi32, #tpu.memory_space<vmem>>, vector<16x1xi32>,
    return
  }
}

module attributes {stable_mosaic.version = 14 : i64} {
  func.func @_mlp_body(%arg0: i32, %arg1: memref<104xi32, #tpu.memory_space<smem>>, %arg2: memref<16xi32, #tpu.memory_space<smem>>, %arg3: memref<49664x16xf32, #tpu.memory_space<vmem>>, %arg4: memref<64x256x16xbf16, #tpu.memory_space<vmem>>, %arg5: memref<64x1x256xf32, #tpu.memory_space<vmem>>, %arg6: memref<8x3x256x256xbf16, #tpu.memory_space<vmem>>, %arg7: memref<64x3x256xf32, #tpu.memory_space<vmem>>, %arg8: memref<64x8x256xbf16, #tpu.memory_space<vmem>>, %arg9: memref<64x1x8xf32, #tpu.memory_space<vmem>>, %arg10: memref<49664x16xf32, #tpu.memory_space<vmem>>) attributes {dimension_semantics = [#tpu.dimension_semantics<arbitrary>], iteration_bounds = array<i64: 8>, scalar_prefetch = 2 : i64, scratch_operands = 0 : i64, tpu.core_type = #tpu.core_type<tc>, window_params = [{pipeline_mode = #tpu.pipeline_mode<synchronous>, transform_indices = @transform_0, window_bounds = array<i64: 49664, 16>}, {pipeline_mode = #tpu.pipeline_mode<synchronous>, transform_indices = @transform_1, window_bounds = array<i64: 64, 256, 16>}, {pipeline_mode = #tpu.pipeline_mode<synchronous>, transform_indices = @transform_2, window_bounds = array<i64: 64, 1, 256>}, {transform_indices = @transform_3, window_bounds = array<i64: 8, 3, 256, 256>}, {pipeline_mode = #tpu.pipeline_mode<synchronous>, transform_indices = @transform_4, window_bounds = array<i64: 64, 3, 256>}, {pipeline_mode = #tpu.pipeline_mode<synchronous>, transform_indices = @transform_5, window_bounds = array<i64: 64, 8, 256>}, {pipeline_mode = #tpu.pipeline_mode<synchronous>, transform_indices = @transform_6, window_bounds = array<i64: 64, 1, 8>}, {pipeline_mode = #tpu.pipeline_mode<synchronous>, transform_indices = @transform_7, window_bounds = array<i64: 49664, 16>}]} {
    %get3A = arith.index_cast %arg0 : i32 to index
    %get3A_0 = memref.load %arg2[%get3A] : memref<16xi32, #tpu.memory_space<smem>>
    %add3A = arith.constant 1 : i32
    %add3A_1 = arith.addi %arg0, %add3A : i32
    %get3A_2 = arith.index_cast %add3A_1 : i32 to index
    %get3A_3 = memref.load %arg2[%get3A_2] : memref<16xi32, #tpu.memory_space<smem>>
    %sub3A = arith.subi %get3A_3, %get3A_0 : i32
    %add3A_4 = arith.constant 1 : i32
    %add3A_5 = arith.addi %sub3A, %add3A_4 : i32
    %jit3A = arith.constant 2 : i32
    %div3A = arith.divsi %add3A_5, %jit3A : i32
    %sign3A = arith.constant 0 : i32
    %sign3A_6 = arith.cmpi sgt, %add3A_5, %sign3A : i32
    %sign3A_7 = arith.extui %sign3A_6 : i1 to i32
    %sign3A_8 = arith.constant 0 : i32
    %sign3A_9 = arith.cmpi slt, %add3A_5, %sign3A_8 : i32
    %sign3A_10 = arith.extui %sign3A_9 : i1 to i32
    %sign3A_11 = arith.subi %sign3A_7, %sign3A_10 : i32
    %sign3A_12 = arith.constant 0 : i32
    %sign3A_13 = arith.cmpi sgt, %jit3A, %sign3A_12 : i32
    %sign3A_14 = arith.extui %sign3A_13 : i1 to i32
    %sign3A_15 = arith.constant 0 : i32
    %sign3A_16 = arith.cmpi slt, %jit3A, %sign3A_15 : i32
    %sign3A_17 = arith.extui %sign3A_16 : i1 to i32
    %sign3A_18 = arith.subi %sign3A_14, %sign3A_17 : i32
    %ne3A = arith.cmpi ne, %sign3A_11, %sign3A_18 : i32
    %rem3A = arith.remsi %add3A_5, %jit3A : i32
    %ne3A_19 = arith.constant 0 : i32
    %ne3A_20 = arith.cmpi ne, %rem3A, %ne3A_19 : i32
    %and3A = arith.andi %ne3A, %ne3A_20 : i1
    %sub3A_21 = arith.constant 1 : i32
    %sub3A_22 = arith.subi %div3A, %sub3A_21 : i32
    %select_n3A = arith.select %and3A, %sub3A_22, %div3A : i32
    %while3A = arith.constant 0 : i32
    %while3A_23 = arith.constant 0 : i32
    %while3A_24 = arith.subi %select_n3A, %while3A_23 : i32
    %while3A_25 = arith.addi %while3A_23, %while3A_24 : i32
    %while3A_26 = arith.constant 1 : i32
    %while3A_27 = arith.divsi %while3A_24, %while3A_26 : i32
    %while3A_28 = arith.muli %while3A_27, %while3A_26 : i32
    %while3A_29 = arith.addi %while3A_23, %while3A_28 : i32
    %while3A_30 = arith.constant 1 : i32
    scf.for %while3A_32 = %while3A_23 to %while3A_29 step %while3A_30  : i32 {
      %mul3A = arith.constant 2 : i32
      %mul3A_33 = arith.muli %mul3A, %while3A_32 : i32
      %add3A_34 = arith.addi %get3A_0, %mul3A_33 : i32
      %get3A_35 = arith.index_cast %add3A_34 : i32 to index
      %get3A_36 = memref.load %arg1[%get3A_35] : memref<104xi32, #tpu.memory_space<smem>>
      %mul3A_37 = arith.constant 8 : i32
      %mul3A_38 = arith.muli %arg0, %mul3A_37 : i32
      %sub3A_39 = arith.subi %get3A_36, %mul3A_38 : i32
      %jit3A_40 = arith.constant 0 : i32
      %jit3A_41 = arith.constant 7 : i32
      %max3A = arith.maxsi %jit3A_40, %sub3A_39 : i32
      %min3A = arith.minsi %jit3A_41, %max3A : i32
      %mul3A_42 = arith.constant 512 : i32
      %mul3A_43 = arith.muli %add3A_34, %mul3A_42 : i32
      %multiple_of3A = tpu.assume_multiple %mul3A_43, 512 : i32
      %get3A_44 = arith.index_cast %multiple_of3A : i32 to index
      %get3A_45 = arith.constant 0 : index
      %get3A_46 = vector.load %arg3[%get3A_44, %get3A_45] : memref<49664x16xf32, #tpu.memory_space<vmem>>, vector<512x16xf32>
      %convert_element_type3A = arith.truncf %get3A_46 : vector<512x16xf32> to vector<512x16xbf16>
      %get3A_47 = arith.index_cast %get3A_36 : i32 to index
      %get3A_48 = arith.constant 0 : index
      %get3A_49 = arith.constant 0 : index
      %get3A_50 = vector.load %arg4[%get3A_47, %get3A_48, %get3A_49] : memref<64x256x16xbf16, #tpu.memory_space<vmem>>, vector<1x256x16xbf16>
      %get3A_51 = vector.shape_cast %get3A_50 : vector<1x256x16xbf16> to vector<256x16xbf16>
      %dot_general3A = arith.constant dense<0.000000e+00> : vector<512x256xf32>
      %dot_general3A_52 = tpu.matmul %convert_element_type3A, %get3A_51, %dot_general3A {dimension_numbers = #tpu.dot_dimension_numbers<[1], [1], [0], [0], [0, 0, 1, 0], [], []>, transpose_lhs_hint = false} : vector<512x16xbf16>, vector<256x16xbf16>, vector<512x256xf32> -> vector<512x256xf32>
      %get3A_53 = arith.index_cast %get3A_36 : i32 to index
      %get3A_54 = arith.constant 0 : index
      %get3A_55 = arith.constant 0 : index
      %get3A_56 = vector.load %arg5[%get3A_53, %get3A_54, %get3A_55] : memref<64x1x256xf32, #tpu.memory_space<vmem>>, vector<1x1x256xf32>
      %get3A_57 = vector.shape_cast %get3A_56 : vector<1x1x256xf32> to vector<1x256xf32>
      %add3A_58 = vector.broadcast %get3A_57 : vector<1x256xf32> to vector<512x256xf32>
      %add3A_59 = arith.addf %dot_general3A_52, %add3A_58 : vector<512x256xf32>
      %max3A_60 = arith.constant 0.000000e+00 : f32
      %max3A_61 = vector.broadcast %max3A_60 : f32 to vector<512x256xf32>
      %max3A_62 = arith.maximumf %add3A_59, %max3A_61 : vector<512x256xf32>
      %convert_element_type3A_63 = arith.truncf %max3A_62 : vector<512x256xf32> to vector<512x256xbf16>
      %get3A_64 = arith.index_cast %min3A : i32 to index
      %get3A_65 = arith.constant 0 : index
      %get3A_66 = arith.constant 0 : index
      %get3A_67 = arith.constant 0 : index
      %get3A_68 = vector.load %arg6[%get3A_64, %get3A_65, %get3A_66, %get3A_67] : memref<8x3x256x256xbf16, #tpu.memory_space<vmem>>, vector<1x1x256x256xbf16>
      %get3A_69 = vector.shape_cast %get3A_68 : vector<1x1x256x256xbf16> to vector<256x256xbf16>
      %dot_general3A_70 = arith.constant dense<0.000000e+00> : vector<512x256xf32>
      %dot_general3A_71 = tpu.matmul %convert_element_type3A_63, %get3A_69, %dot_general3A_70 {dimension_numbers = #tpu.dot_dimension_numbers<[1], [1], [0], [0], [0, 0, 1, 0], [], []>, transpose_lhs_hint = false} : vector<512x256xbf16>, vector<256x256xbf16>, vector<512x256xf32> -> vector<512x256xf32>
      %get3A_72 = arith.index_cast %get3A_36 : i32 to index
      %get3A_73 = arith.constant 0 : index
      %get3A_74 = arith.constant 0 : index
      %get3A_75 = vector.load %arg7[%get3A_72, %get3A_73, %get3A_74] : memref<64x3x256xf32, #tpu.memory_space<vmem>>, vector<1x1x256xf32>
      %get3A_76 = vector.shape_cast %get3A_75 : vector<1x1x256xf32> to vector<1x256xf32>
      %add3A_77 = vector.broadcast %get3A_76 : vector<1x256xf32> to vector<512x256xf32>
      %add3A_78 = arith.addf %dot_general3A_71, %add3A_77 : vector<512x256xf32>
      %max3A_79 = arith.constant 0.000000e+00 : f32
      %max3A_80 = vector.broadcast %max3A_79 : f32 to vector<512x256xf32>
      %max3A_81 = arith.maximumf %add3A_78, %max3A_80 : vector<512x256xf32>
      %convert_element_type3A_82 = arith.truncf %max3A_81 : vector<512x256xf32> to vector<512x256xbf16>
      %get3A_83 = arith.index_cast %get3A_36 : i32 to index
      %get3A_84 = arith.constant 0 : index
      %get3A_85 = arith.constant 0 : index
      %get3A_86 = vector.load %arg8[%get3A_83, %get3A_84, %get3A_85] : memref<64x8x256xbf16, #tpu.memory_space<vmem>>, vector<1x8x256xbf16>
      %get3A_87 = vector.shape_cast %get3A_86 : vector<1x8x256xbf16> to vector<8x256xbf16>
      %dot_general3A_88 = arith.constant dense<0.000000e+00> : vector<512x8xf32>
      %dot_general3A_89 = tpu.matmul %convert_element_type3A_82, %get3A_87, %dot_general3A_88 {dimension_numbers = #tpu.dot_dimension_numbers<[1], [1], [0], [0], [0, 0, 1, 0], [], []>, transpose_lhs_hint = false} : vector<512x256xbf16>, vector<8x256xbf16>, vector<512x8xf32> -> vector<512x8xf32>
      %get3A_90 = arith.index_cast %get3A_36 : i32 to index
      %get3A_91 = arith.constant 0 : index
      %get3A_92 = arith.constant 0 : index
      %get3A_93 = vector.load %arg9[%get3A_90, %get3A_91, %get3A_92] : memref<64x1x8xf32, #tpu.memory_space<vmem>>, vector<1x1x8xf32>
      %get3A_94 = vector.shape_cast %get3A_93 : vector<1x1x8xf32> to vector<1x8xf32>
      %add3A_95 = vector.broadcast %get3A_94 : vector<1x8xf32> to vector<512x8xf32>
      %add3A_96 = arith.addf %dot_general3A_89, %add3A_95 : vector<512x8xf32>
      %get3A_97 = arith.index_cast %min3A : i32 to index
      %get3A_98 = arith.constant 1 : index
      %get3A_99 = arith.constant 0 : index
      %get3A_100 = arith.constant 0 : index
      %get3A_101 = vector.load %arg6[%get3A_97, %get3A_98, %get3A_99, %get3A_100] : memref<8x3x256x256xbf16, #tpu.memory_space<vmem>>, vector<1x1x256x256xbf16>
      %get3A_102 = vector.shape_cast %get3A_101 : vector<1x1x256x256xbf16> to vector<256x256xbf16>
      %dot_general3A_103 = arith.constant dense<0.000000e+00> : vector<512x256xf32>
      %dot_general3A_104 = tpu.matmul %convert_element_type3A_82, %get3A_102, %dot_general3A_103 {dimension_numbers = #tpu.dot_dimension_numbers<[1], [1], [0], [0], [0, 0, 1, 0], [], []>, transpose_lhs_hint = false} : vector<512x256xbf16>, vector<256x256xbf16>, vector<512x256xf32> -> vector<512x256xf32>
      %get3A_105 = arith.index_cast %get3A_36 : i32 to index
      %get3A_106 = arith.constant 1 : index
      %get3A_107 = arith.constant 0 : index
      %get3A_108 = vector.load %arg7[%get3A_105, %get3A_106, %get3A_107] : memref<64x3x256xf32, #tpu.memory_space<vmem>>, vector<1x1x256xf32>
      %get3A_109 = vector.shape_cast %get3A_108 : vector<1x1x256xf32> to vector<1x256xf32>
      %add3A_110 = vector.broadcast %get3A_109 : vector<1x256xf32> to vector<512x256xf32>
      %add3A_111 = arith.addf %dot_general3A_104, %add3A_110 : vector<512x256xf32>
      %max3A_112 = arith.constant 0.000000e+00 : f32
      %max3A_113 = vector.broadcast %max3A_112 : f32 to vector<512x256xf32>
      %max3A_114 = arith.maximumf %add3A_111, %max3A_113 : vector<512x256xf32>
      %convert_element_type3A_115 = arith.truncf %max3A_114 : vector<512x256xf32> to vector<512x256xbf16>
      %get3A_116 = arith.index_cast %min3A : i32 to index
      %get3A_117 = arith.constant 2 : index
      %get3A_118 = arith.constant 0 : index
      %get3A_119 = arith.constant 0 : index
      %get3A_120 = vector.load %arg6[%get3A_116, %get3A_117, %get3A_118, %get3A_119] : memref<8x3x256x256xbf16, #tpu.memory_space<vmem>>, vector<1x1x256x256xbf16>
      %get3A_121 = vector.shape_cast %get3A_120 : vector<1x1x256x256xbf16> to vector<256x256xbf16>
      %dot_general3A_122 = arith.constant dense<0.000000e+00> : vector<512x256xf32>
      %dot_general3A_123 = tpu.matmul %convert_element_type3A_115, %get3A_121, %dot_general3A_122 {dimension_numbers = #tpu.dot_dimension_numbers<[1], [1], [0], [0], [0, 0, 1, 0], [], []>, transpose_lhs_hint = false} : vector<512x256xbf16>, vector<256x256xbf16>, vector<512x256xf32> -> vector<512x256xf32>
      %get3A_124 = arith.index_cast %get3A_36 : i32 to index
      %get3A_125 = arith.constant 2 : index
      %get3A_126 = arith.constant 0 : index
      %get3A_127 = vector.load %arg7[%get3A_124, %get3A_125, %get3A_126] : memref<64x3x256xf32, #tpu.memory_space<vmem>>, vector<1x1x256xf32>
      %get3A_128 = vector.shape_cast %get3A_127 : vector<1x1x256xf32> to vector<1x256xf32>
      %add3A_129 = vector.broadcast %get3A_128 : vector<1x256xf32> to vector<512x256xf32>
      %add3A_130 = arith.addf %dot_general3A_123, %add3A_129 : vector<512x256xf32>
      %max3A_131 = arith.constant 0.000000e+00 : f32
      %max3A_132 = vector.broadcast %max3A_131 : f32 to vector<512x256xf32>
      %max3A_133 = arith.maximumf %add3A_130, %max3A_132 : vector<512x256xf32>
      %convert_element_type3A_134 = arith.truncf %max3A_133 : vector<512x256xf32> to vector<512x256xbf16>
      %get3A_135 = arith.index_cast %get3A_36 : i32 to index
      %get3A_136 = arith.constant 0 : index
      %get3A_137 = arith.constant 0 : index
      %get3A_138 = vector.load %arg8[%get3A_135, %get3A_136, %get3A_137] : memref<64x8x256xbf16, #tpu.memory_space<vmem>>, vector<1x8x256xbf16>
      %get3A_139 = vector.shape_cast %get3A_138 : vector<1x8x256xbf16> to vector<8x256xbf16>
      %dot_general3A_140 = arith.constant dense<0.000000e+00> : vector<512x8xf32>
      %dot_general3A_141 = tpu.matmul %convert_element_type3A_134, %get3A_139, %dot_general3A_140 {dimension_numbers = #tpu.dot_dimension_numbers<[1], [1], [0], [0], [0, 0, 1, 0], [], []>, transpose_lhs_hint = false} : vector<512x256xbf16>, vector<8x256xbf16>, vector<512x8xf32> -> vector<512x8xf32>
      %get3A_142 = arith.index_cast %get3A_36 : i32 to index
      %get3A_143 = arith.constant 0 : index
      %get3A_144 = arith.constant 0 : index
      %get3A_145 = vector.load %arg9[%get3A_142, %get3A_143, %get3A_144] : memref<64x1x8xf32, #tpu.memory_space<vmem>>, vector<1x1x8xf32>
      %get3A_146 = vector.shape_cast %get3A_145 : vector<1x1x8xf32> to vector<1x8xf32>
      %add3A_147 = vector.broadcast %get3A_146 : vector<1x8xf32> to vector<512x8xf32>
      %add3A_148 = arith.addf %dot_general3A_141, %add3A_147 : vector<512x8xf32>
      %concatenate3A = tpu.concatenate %add3A_96, %add3A_148 in 1 : vector<512x8xf32>, vector<512x8xf32> -> vector<512x16xf32>
      %swap3A = arith.index_cast %multiple_of3A : i32 to index
      %swap3A_149 = arith.constant 0 : index
      %swap3A_150 = vector.load %arg10[%swap3A, %swap3A_149] : memref<49664x16xf32, #tpu.memory_space<vmem>>, vector<512x16xf32>
      tpu.vector_store %arg10[%swap3A, %swap3A_149], %concatenate3A {strides = array<i32>} : memref<49664x16xf32, #tpu.memory_space<vmem>>, vector<512x16xf32>,
      %mul3A_151 = arith.constant 2 : i32
      %mul3A_152 = arith.muli %mul3A_151, %while3A_32 : i32
      %add3A_153 = arith.addi %get3A_0, %mul3A_152 : i32
      %add3A_154 = arith.constant 1 : i32
      %add3A_155 = arith.addi %add3A_153, %add3A_154 : i32
      %get3A_156 = arith.index_cast %add3A_155 : i32 to index
      %get3A_157 = memref.load %arg1[%get3A_156] : memref<104xi32, #tpu.memory_space<smem>>
      %mul3A_158 = arith.constant 8 : i32
      %mul3A_159 = arith.muli %arg0, %mul3A_158 : i32
      %sub3A_160 = arith.subi %get3A_157, %mul3A_159 : i32
      %jit3A_161 = arith.constant 0 : i32
      %jit3A_162 = arith.constant 7 : i32
      %max3A_163 = arith.maxsi %jit3A_161, %sub3A_160 : i32
      %min3A_164 = arith.minsi %jit3A_162, %max3A_163 : i32
      %mul3A_165 = arith.constant 512 : i32
      %mul3A_166 = arith.muli %add3A_155, %mul3A_165 : i32
      %multiple_of3A_167 = tpu.assume_multiple %mul3A_166, 512 : i32
      %get3A_168 = arith.index_cast %multiple_of3A_167 : i32 to index
      %get3A_169 = arith.constant 0 : index
      %get3A_170 = vector.load %arg3[%get3A_168, %get3A_169] : memref<49664x16xf32, #tpu.memory_space<vmem>>, vector<512x16xf32>
      %convert_element_type3A_171 = arith.truncf %get3A_170 : vector<512x16xf32> to vector<512x16xbf16>
      %get3A_172 = arith.index_cast %get3A_157 : i32 to index
      %get3A_173 = arith.constant 0 : index
      %get3A_174 = arith.constant 0 : index
      %get3A_175 = vector.load %arg4[%get3A_172, %get3A_173, %get3A_174] : memref<64x256x16xbf16, #tpu.memory_space<vmem>>, vector<1x256x16xbf16>
      %get3A_176 = vector.shape_cast %get3A_175 : vector<1x256x16xbf16> to vector<256x16xbf16>
      %dot_general3A_177 = arith.constant dense<0.000000e+00> : vector<512x256xf32>
      %dot_general3A_178 = tpu.matmul %convert_element_type3A_171, %get3A_176, %dot_general3A_177 {dimension_numbers = #tpu.dot_dimension_numbers<[1], [1], [0], [0], [0, 0, 1, 0], [], []>, transpose_lhs_hint = false} : vector<512x16xbf16>, vector<256x16xbf16>, vector<512x256xf32> -> vector<512x256xf32>
      %get3A_179 = arith.index_cast %get3A_157 : i32 to index
      %get3A_180 = arith.constant 0 : index
      %get3A_181 = arith.constant 0 : index
      %get3A_182 = vector.load %arg5[%get3A_179, %get3A_180, %get3A_181] : memref<64x1x256xf32, #tpu.memory_space<vmem>>, vector<1x1x256xf32>
      %get3A_183 = vector.shape_cast %get3A_182 : vector<1x1x256xf32> to vector<1x256xf32>
      %add3A_184 = vector.broadcast %get3A_183 : vector<1x256xf32> to vector<512x256xf32>
      %add3A_185 = arith.addf %dot_general3A_178, %add3A_184 : vector<512x256xf32>
      %max3A_186 = arith.constant 0.000000e+00 : f32
      %max3A_187 = vector.broadcast %max3A_186 : f32 to vector<512x256xf32>
      %max3A_188 = arith.maximumf %add3A_185, %max3A_187 : vector<512x256xf32>
      %convert_element_type3A_189 = arith.truncf %max3A_188 : vector<512x256xf32> to vector<512x256xbf16>
      %get3A_190 = arith.index_cast %min3A_164 : i32 to index
      %get3A_191 = arith.constant 0 : index
      %get3A_192 = arith.constant 0 : index
      %get3A_193 = arith.constant 0 : index
      %get3A_194 = vector.load %arg6[%get3A_190, %get3A_191, %get3A_192, %get3A_193] : memref<8x3x256x256xbf16, #tpu.memory_space<vmem>>, vector<1x1x256x256xbf16>
      %get3A_195 = vector.shape_cast %get3A_194 : vector<1x1x256x256xbf16> to vector<256x256xbf16>
      %dot_general3A_196 = arith.constant dense<0.000000e+00> : vector<512x256xf32>
      %dot_general3A_197 = tpu.matmul %convert_element_type3A_189, %get3A_195, %dot_general3A_196 {dimension_numbers = #tpu.dot_dimension_numbers<[1], [1], [0], [0], [0, 0, 1, 0], [], []>, transpose_lhs_hint = false} : vector<512x256xbf16>, vector<256x256xbf16>, vector<512x256xf32> -> vector<512x256xf32>
      %get3A_198 = arith.index_cast %get3A_157 : i32 to index
      %get3A_199 = arith.constant 0 : index
      %get3A_200 = arith.constant 0 : index
      %get3A_201 = vector.load %arg7[%get3A_198, %get3A_199, %get3A_200] : memref<64x3x256xf32, #tpu.memory_space<vmem>>, vector<1x1x256xf32>
      %get3A_202 = vector.shape_cast %get3A_201 : vector<1x1x256xf32> to vector<1x256xf32>
      %add3A_203 = vector.broadcast %get3A_202 : vector<1x256xf32> to vector<512x256xf32>
      %add3A_204 = arith.addf %dot_general3A_197, %add3A_203 : vector<512x256xf32>
      %max3A_205 = arith.constant 0.000000e+00 : f32
      %max3A_206 = vector.broadcast %max3A_205 : f32 to vector<512x256xf32>
      %max3A_207 = arith.maximumf %add3A_204, %max3A_206 : vector<512x256xf32>
      %convert_element_type3A_208 = arith.truncf %max3A_207 : vector<512x256xf32> to vector<512x256xbf16>
      %get3A_209 = arith.index_cast %get3A_157 : i32 to index
      %get3A_210 = arith.constant 0 : index
      %get3A_211 = arith.constant 0 : index
      %get3A_212 = vector.load %arg8[%get3A_209, %get3A_210, %get3A_211] : memref<64x8x256xbf16, #tpu.memory_space<vmem>>, vector<1x8x256xbf16>
      %get3A_213 = vector.shape_cast %get3A_212 : vector<1x8x256xbf16> to vector<8x256xbf16>
      %dot_general3A_214 = arith.constant dense<0.000000e+00> : vector<512x8xf32>
      %dot_general3A_215 = tpu.matmul %convert_element_type3A_208, %get3A_213, %dot_general3A_214 {dimension_numbers = #tpu.dot_dimension_numbers<[1], [1], [0], [0], [0, 0, 1, 0], [], []>, transpose_lhs_hint = false} : vector<512x256xbf16>, vector<8x256xbf16>, vector<512x8xf32> -> vector<512x8xf32>
      %get3A_216 = arith.index_cast %get3A_157 : i32 to index
      %get3A_217 = arith.constant 0 : index
      %get3A_218 = arith.constant 0 : index
      %get3A_219 = vector.load %arg9[%get3A_216, %get3A_217, %get3A_218] : memref<64x1x8xf32, #tpu.memory_space<vmem>>, vector<1x1x8xf32>
      %get3A_220 = vector.shape_cast %get3A_219 : vector<1x1x8xf32> to vector<1x8xf32>
      %add3A_221 = vector.broadcast %get3A_220 : vector<1x8xf32> to vector<512x8xf32>
      %add3A_222 = arith.addf %dot_general3A_215, %add3A_221 : vector<512x8xf32>
      %get3A_223 = arith.index_cast %min3A_164 : i32 to index
      %get3A_224 = arith.constant 1 : index
      %get3A_225 = arith.constant 0 : index
      %get3A_226 = arith.constant 0 : index
      %get3A_227 = vector.load %arg6[%get3A_223, %get3A_224, %get3A_225, %get3A_226] : memref<8x3x256x256xbf16, #tpu.memory_space<vmem>>, vector<1x1x256x256xbf16>
      %get3A_228 = vector.shape_cast %get3A_227 : vector<1x1x256x256xbf16> to vector<256x256xbf16>
      %dot_general3A_229 = arith.constant dense<0.000000e+00> : vector<512x256xf32>
      %dot_general3A_230 = tpu.matmul %convert_element_type3A_208, %get3A_228, %dot_general3A_229 {dimension_numbers = #tpu.dot_dimension_numbers<[1], [1], [0], [0], [0, 0, 1, 0], [], []>, transpose_lhs_hint = false} : vector<512x256xbf16>, vector<256x256xbf16>, vector<512x256xf32> -> vector<512x256xf32>
      %get3A_231 = arith.index_cast %get3A_157 : i32 to index
      %get3A_232 = arith.constant 1 : index
      %get3A_233 = arith.constant 0 : index
      %get3A_234 = vector.load %arg7[%get3A_231, %get3A_232, %get3A_233] : memref<64x3x256xf32, #tpu.memory_space<vmem>>, vector<1x1x256xf32>
      %get3A_235 = vector.shape_cast %get3A_234 : vector<1x1x256xf32> to vector<1x256xf32>
      %add3A_236 = vector.broadcast %get3A_235 : vector<1x256xf32> to vector<512x256xf32>
      %add3A_237 = arith.addf %dot_general3A_230, %add3A_236 : vector<512x256xf32>
      %max3A_238 = arith.constant 0.000000e+00 : f32
      %max3A_239 = vector.broadcast %max3A_238 : f32 to vector<512x256xf32>
      %max3A_240 = arith.maximumf %add3A_237, %max3A_239 : vector<512x256xf32>
      %convert_element_type3A_241 = arith.truncf %max3A_240 : vector<512x256xf32> to vector<512x256xbf16>
      %get3A_242 = arith.index_cast %min3A_164 : i32 to index
      %get3A_243 = arith.constant 2 : index
      %get3A_244 = arith.constant 0 : index
      %get3A_245 = arith.constant 0 : index
      %get3A_246 = vector.load %arg6[%get3A_242, %get3A_243, %get3A_244, %get3A_245] : memref<8x3x256x256xbf16, #tpu.memory_space<vmem>>, vector<1x1x256x256xbf16>
      %get3A_247 = vector.shape_cast %get3A_246 : vector<1x1x256x256xbf16> to vector<256x256xbf16>
      %dot_general3A_248 = arith.constant dense<0.000000e+00> : vector<512x256xf32>
      %dot_general3A_249 = tpu.matmul %convert_element_type3A_241, %get3A_247, %dot_general3A_248 {dimension_numbers = #tpu.dot_dimension_numbers<[1], [1], [0], [0], [0, 0, 1, 0], [], []>, transpose_lhs_hint = false} : vector<512x256xbf16>, vector<256x256xbf16>, vector<512x256xf32> -> vector<512x256xf32>
      %get3A_250 = arith.index_cast %get3A_157 : i32 to index
      %get3A_251 = arith.constant 2 : index
      %get3A_252 = arith.constant 0 : index
      %get3A_253 = vector.load %arg7[%get3A_250, %get3A_251, %get3A_252] : memref<64x3x256xf32, #tpu.memory_space<vmem>>, vector<1x1x256xf32>
      %get3A_254 = vector.shape_cast %get3A_253 : vector<1x1x256xf32> to vector<1x256xf32>
      %add3A_255 = vector.broadcast %get3A_254 : vector<1x256xf32> to vector<512x256xf32>
      %add3A_256 = arith.addf %dot_general3A_249, %add3A_255 : vector<512x256xf32>
      %max3A_257 = arith.constant 0.000000e+00 : f32
      %max3A_258 = vector.broadcast %max3A_257 : f32 to vector<512x256xf32>
      %max3A_259 = arith.maximumf %add3A_256, %max3A_258 : vector<512x256xf32>
      %convert_element_type3A_260 = arith.truncf %max3A_259 : vector<512x256xf32> to vector<512x256xbf16>
      %get3A_261 = arith.index_cast %get3A_157 : i32 to index
      %get3A_262 = arith.constant 0 : index
      %get3A_263 = arith.constant 0 : index
      %get3A_264 = vector.load %arg8[%get3A_261, %get3A_262, %get3A_263] : memref<64x8x256xbf16, #tpu.memory_space<vmem>>, vector<1x8x256xbf16>
      %get3A_265 = vector.shape_cast %get3A_264 : vector<1x8x256xbf16> to vector<8x256xbf16>
      %dot_general3A_266 = arith.constant dense<0.000000e+00> : vector<512x8xf32>
      %dot_general3A_267 = tpu.matmul %convert_element_type3A_260, %get3A_265, %dot_general3A_266 {dimension_numbers = #tpu.dot_dimension_numbers<[1], [1], [0], [0], [0, 0, 1, 0], [], []>, transpose_lhs_hint = false} : vector<512x256xbf16>, vector<8x256xbf16>, vector<512x8xf32> -> vector<512x8xf32>
      %get3A_268 = arith.index_cast %get3A_157 : i32 to index
      %get3A_269 = arith.constant 0 : index
      %get3A_270 = arith.constant 0 : index
      %get3A_271 = vector.load %arg9[%get3A_268, %get3A_269, %get3A_270] : memref<64x1x8xf32, #tpu.memory_space<vmem>>, vector<1x1x8xf32>
      %get3A_272 = vector.shape_cast %get3A_271 : vector<1x1x8xf32> to vector<1x8xf32>
      %add3A_273 = vector.broadcast %get3A_272 : vector<1x8xf32> to vector<512x8xf32>
      %add3A_274 = arith.addf %dot_general3A_267, %add3A_273 : vector<512x8xf32>
      %concatenate3A_275 = tpu.concatenate %add3A_222, %add3A_274 in 1 : vector<512x8xf32>, vector<512x8xf32> -> vector<512x16xf32>
      %swap3A_276 = arith.index_cast %multiple_of3A_167 : i32 to index
      %swap3A_277 = arith.constant 0 : index
      %swap3A_278 = vector.load %arg10[%swap3A_276, %swap3A_277] : memref<49664x16xf32, #tpu.memory_space<vmem>>, vector<512x16xf32>
      tpu.vector_store %arg10[%swap3A_276, %swap3A_277], %concatenate3A_275 {strides = array<i32>} : memref<49664x16xf32, #tpu.memory_space<vmem>>, vector<512x16xf32>,
    }
    %while3A_31 = arith.constant 1 : i32
    scf.for %while3A_32 = %while3A_29 to %while3A_25 step %while3A_31  : i32 {
      %mul3A = arith.constant 2 : i32
      %mul3A_33 = arith.muli %mul3A, %while3A_32 : i32
      %add3A_34 = arith.addi %get3A_0, %mul3A_33 : i32
      %get3A_35 = arith.index_cast %add3A_34 : i32 to index
      %get3A_36 = memref.load %arg1[%get3A_35] : memref<104xi32, #tpu.memory_space<smem>>
      %mul3A_37 = arith.constant 8 : i32
      %mul3A_38 = arith.muli %arg0, %mul3A_37 : i32
      %sub3A_39 = arith.subi %get3A_36, %mul3A_38 : i32
      %jit3A_40 = arith.constant 0 : i32
      %jit3A_41 = arith.constant 7 : i32
      %max3A = arith.maxsi %jit3A_40, %sub3A_39 : i32
      %min3A = arith.minsi %jit3A_41, %max3A : i32
      %mul3A_42 = arith.constant 512 : i32
      %mul3A_43 = arith.muli %add3A_34, %mul3A_42 : i32
      %multiple_of3A = tpu.assume_multiple %mul3A_43, 512 : i32
      %get3A_44 = arith.index_cast %multiple_of3A : i32 to index
      %get3A_45 = arith.constant 0 : index
      %get3A_46 = vector.load %arg3[%get3A_44, %get3A_45] : memref<49664x16xf32, #tpu.memory_space<vmem>>, vector<512x16xf32>
      %convert_element_type3A = arith.truncf %get3A_46 : vector<512x16xf32> to vector<512x16xbf16>
      %get3A_47 = arith.index_cast %get3A_36 : i32 to index
      %get3A_48 = arith.constant 0 : index
      %get3A_49 = arith.constant 0 : index
      %get3A_50 = vector.load %arg4[%get3A_47, %get3A_48, %get3A_49] : memref<64x256x16xbf16, #tpu.memory_space<vmem>>, vector<1x256x16xbf16>
      %get3A_51 = vector.shape_cast %get3A_50 : vector<1x256x16xbf16> to vector<256x16xbf16>
      %dot_general3A = arith.constant dense<0.000000e+00> : vector<512x256xf32>
      %dot_general3A_52 = tpu.matmul %convert_element_type3A, %get3A_51, %dot_general3A {dimension_numbers = #tpu.dot_dimension_numbers<[1], [1], [0], [0], [0, 0, 1, 0], [], []>, transpose_lhs_hint = false} : vector<512x16xbf16>, vector<256x16xbf16>, vector<512x256xf32> -> vector<512x256xf32>
      %get3A_53 = arith.index_cast %get3A_36 : i32 to index
      %get3A_54 = arith.constant 0 : index
      %get3A_55 = arith.constant 0 : index
      %get3A_56 = vector.load %arg5[%get3A_53, %get3A_54, %get3A_55] : memref<64x1x256xf32, #tpu.memory_space<vmem>>, vector<1x1x256xf32>
      %get3A_57 = vector.shape_cast %get3A_56 : vector<1x1x256xf32> to vector<1x256xf32>
      %add3A_58 = vector.broadcast %get3A_57 : vector<1x256xf32> to vector<512x256xf32>
      %add3A_59 = arith.addf %dot_general3A_52, %add3A_58 : vector<512x256xf32>
      %max3A_60 = arith.constant 0.000000e+00 : f32
      %max3A_61 = vector.broadcast %max3A_60 : f32 to vector<512x256xf32>
      %max3A_62 = arith.maximumf %add3A_59, %max3A_61 : vector<512x256xf32>
      %convert_element_type3A_63 = arith.truncf %max3A_62 : vector<512x256xf32> to vector<512x256xbf16>
      %get3A_64 = arith.index_cast %min3A : i32 to index
      %get3A_65 = arith.constant 0 : index
      %get3A_66 = arith.constant 0 : index
      %get3A_67 = arith.constant 0 : index
      %get3A_68 = vector.load %arg6[%get3A_64, %get3A_65, %get3A_66, %get3A_67] : memref<8x3x256x256xbf16, #tpu.memory_space<vmem>>, vector<1x1x256x256xbf16>
      %get3A_69 = vector.shape_cast %get3A_68 : vector<1x1x256x256xbf16> to vector<256x256xbf16>
      %dot_general3A_70 = arith.constant dense<0.000000e+00> : vector<512x256xf32>
      %dot_general3A_71 = tpu.matmul %convert_element_type3A_63, %get3A_69, %dot_general3A_70 {dimension_numbers = #tpu.dot_dimension_numbers<[1], [1], [0], [0], [0, 0, 1, 0], [], []>, transpose_lhs_hint = false} : vector<512x256xbf16>, vector<256x256xbf16>, vector<512x256xf32> -> vector<512x256xf32>
      %get3A_72 = arith.index_cast %get3A_36 : i32 to index
      %get3A_73 = arith.constant 0 : index
      %get3A_74 = arith.constant 0 : index
      %get3A_75 = vector.load %arg7[%get3A_72, %get3A_73, %get3A_74] : memref<64x3x256xf32, #tpu.memory_space<vmem>>, vector<1x1x256xf32>
      %get3A_76 = vector.shape_cast %get3A_75 : vector<1x1x256xf32> to vector<1x256xf32>
      %add3A_77 = vector.broadcast %get3A_76 : vector<1x256xf32> to vector<512x256xf32>
      %add3A_78 = arith.addf %dot_general3A_71, %add3A_77 : vector<512x256xf32>
      %max3A_79 = arith.constant 0.000000e+00 : f32
      %max3A_80 = vector.broadcast %max3A_79 : f32 to vector<512x256xf32>
      %max3A_81 = arith.maximumf %add3A_78, %max3A_80 : vector<512x256xf32>
      %convert_element_type3A_82 = arith.truncf %max3A_81 : vector<512x256xf32> to vector<512x256xbf16>
      %get3A_83 = arith.index_cast %get3A_36 : i32 to index
      %get3A_84 = arith.constant 0 : index
      %get3A_85 = arith.constant 0 : index
      %get3A_86 = vector.load %arg8[%get3A_83, %get3A_84, %get3A_85] : memref<64x8x256xbf16, #tpu.memory_space<vmem>>, vector<1x8x256xbf16>
      %get3A_87 = vector.shape_cast %get3A_86 : vector<1x8x256xbf16> to vector<8x256xbf16>
      %dot_general3A_88 = arith.constant dense<0.000000e+00> : vector<512x8xf32>
      %dot_general3A_89 = tpu.matmul %convert_element_type3A_82, %get3A_87, %dot_general3A_88 {dimension_numbers = #tpu.dot_dimension_numbers<[1], [1], [0], [0], [0, 0, 1, 0], [], []>, transpose_lhs_hint = false} : vector<512x256xbf16>, vector<8x256xbf16>, vector<512x8xf32> -> vector<512x8xf32>
      %get3A_90 = arith.index_cast %get3A_36 : i32 to index
      %get3A_91 = arith.constant 0 : index
      %get3A_92 = arith.constant 0 : index
      %get3A_93 = vector.load %arg9[%get3A_90, %get3A_91, %get3A_92] : memref<64x1x8xf32, #tpu.memory_space<vmem>>, vector<1x1x8xf32>
      %get3A_94 = vector.shape_cast %get3A_93 : vector<1x1x8xf32> to vector<1x8xf32>
      %add3A_95 = vector.broadcast %get3A_94 : vector<1x8xf32> to vector<512x8xf32>
      %add3A_96 = arith.addf %dot_general3A_89, %add3A_95 : vector<512x8xf32>
      %get3A_97 = arith.index_cast %min3A : i32 to index
      %get3A_98 = arith.constant 1 : index
      %get3A_99 = arith.constant 0 : index
      %get3A_100 = arith.constant 0 : index
      %get3A_101 = vector.load %arg6[%get3A_97, %get3A_98, %get3A_99, %get3A_100] : memref<8x3x256x256xbf16, #tpu.memory_space<vmem>>, vector<1x1x256x256xbf16>
      %get3A_102 = vector.shape_cast %get3A_101 : vector<1x1x256x256xbf16> to vector<256x256xbf16>
      %dot_general3A_103 = arith.constant dense<0.000000e+00> : vector<512x256xf32>
      %dot_general3A_104 = tpu.matmul %convert_element_type3A_82, %get3A_102, %dot_general3A_103 {dimension_numbers = #tpu.dot_dimension_numbers<[1], [1], [0], [0], [0, 0, 1, 0], [], []>, transpose_lhs_hint = false} : vector<512x256xbf16>, vector<256x256xbf16>, vector<512x256xf32> -> vector<512x256xf32>
      %get3A_105 = arith.index_cast %get3A_36 : i32 to index
      %get3A_106 = arith.constant 1 : index
      %get3A_107 = arith.constant 0 : index
      %get3A_108 = vector.load %arg7[%get3A_105, %get3A_106, %get3A_107] : memref<64x3x256xf32, #tpu.memory_space<vmem>>, vector<1x1x256xf32>
      %get3A_109 = vector.shape_cast %get3A_108 : vector<1x1x256xf32> to vector<1x256xf32>
      %add3A_110 = vector.broadcast %get3A_109 : vector<1x256xf32> to vector<512x256xf32>
      %add3A_111 = arith.addf %dot_general3A_104, %add3A_110 : vector<512x256xf32>
      %max3A_112 = arith.constant 0.000000e+00 : f32
      %max3A_113 = vector.broadcast %max3A_112 : f32 to vector<512x256xf32>
      %max3A_114 = arith.maximumf %add3A_111, %max3A_113 : vector<512x256xf32>
      %convert_element_type3A_115 = arith.truncf %max3A_114 : vector<512x256xf32> to vector<512x256xbf16>
      %get3A_116 = arith.index_cast %min3A : i32 to index
      %get3A_117 = arith.constant 2 : index
      %get3A_118 = arith.constant 0 : index
      %get3A_119 = arith.constant 0 : index
      %get3A_120 = vector.load %arg6[%get3A_116, %get3A_117, %get3A_118, %get3A_119] : memref<8x3x256x256xbf16, #tpu.memory_space<vmem>>, vector<1x1x256x256xbf16>
      %get3A_121 = vector.shape_cast %get3A_120 : vector<1x1x256x256xbf16> to vector<256x256xbf16>
      %dot_general3A_122 = arith.constant dense<0.000000e+00> : vector<512x256xf32>
      %dot_general3A_123 = tpu.matmul %convert_element_type3A_115, %get3A_121, %dot_general3A_122 {dimension_numbers = #tpu.dot_dimension_numbers<[1], [1], [0], [0], [0, 0, 1, 0], [], []>, transpose_lhs_hint = false} : vector<512x256xbf16>, vector<256x256xbf16>, vector<512x256xf32> -> vector<512x256xf32>
      %get3A_124 = arith.index_cast %get3A_36 : i32 to index
      %get3A_125 = arith.constant 2 : index
      %get3A_126 = arith.constant 0 : index
      %get3A_127 = vector.load %arg7[%get3A_124, %get3A_125, %get3A_126] : memref<64x3x256xf32, #tpu.memory_space<vmem>>, vector<1x1x256xf32>
      %get3A_128 = vector.shape_cast %get3A_127 : vector<1x1x256xf32> to vector<1x256xf32>
      %add3A_129 = vector.broadcast %get3A_128 : vector<1x256xf32> to vector<512x256xf32>
      %add3A_130 = arith.addf %dot_general3A_123, %add3A_129 : vector<512x256xf32>
      %max3A_131 = arith.constant 0.000000e+00 : f32
      %max3A_132 = vector.broadcast %max3A_131 : f32 to vector<512x256xf32>
      %max3A_133 = arith.maximumf %add3A_130, %max3A_132 : vector<512x256xf32>
      %convert_element_type3A_134 = arith.truncf %max3A_133 : vector<512x256xf32> to vector<512x256xbf16>
      %get3A_135 = arith.index_cast %get3A_36 : i32 to index
      %get3A_136 = arith.constant 0 : index
      %get3A_137 = arith.constant 0 : index
      %get3A_138 = vector.load %arg8[%get3A_135, %get3A_136, %get3A_137] : memref<64x8x256xbf16, #tpu.memory_space<vmem>>, vector<1x8x256xbf16>
      %get3A_139 = vector.shape_cast %get3A_138 : vector<1x8x256xbf16> to vector<8x256xbf16>
      %dot_general3A_140 = arith.constant dense<0.000000e+00> : vector<512x8xf32>
      %dot_general3A_141 = tpu.matmul %convert_element_type3A_134, %get3A_139, %dot_general3A_140 {dimension_numbers = #tpu.dot_dimension_numbers<[1], [1], [0], [0], [0, 0, 1, 0], [], []>, transpose_lhs_hint = false} : vector<512x256xbf16>, vector<8x256xbf16>, vector<512x8xf32> -> vector<512x8xf32>
      %get3A_142 = arith.index_cast %get3A_36 : i32 to index
      %get3A_143 = arith.constant 0 : index
      %get3A_144 = arith.constant 0 : index
      %get3A_145 = vector.load %arg9[%get3A_142, %get3A_143, %get3A_144] : memref<64x1x8xf32, #tpu.memory_space<vmem>>, vector<1x1x8xf32>
      %get3A_146 = vector.shape_cast %get3A_145 : vector<1x1x8xf32> to vector<1x8xf32>
      %add3A_147 = vector.broadcast %get3A_146 : vector<1x8xf32> to vector<512x8xf32>
      %add3A_148 = arith.addf %dot_general3A_141, %add3A_147 : vector<512x8xf32>
      %concatenate3A = tpu.concatenate %add3A_96, %add3A_148 in 1 : vector<512x8xf32>, vector<512x8xf32> -> vector<512x16xf32>
      %swap3A = arith.index_cast %multiple_of3A : i32 to index
      %swap3A_149 = arith.constant 0 : index
      %swap3A_150 = vector.load %arg10[%swap3A, %swap3A_149] : memref<49664x16xf32, #tpu.memory_space<vmem>>, vector<512x16xf32>
      tpu.vector_store %arg10[%swap3A, %swap3A_149], %concatenate3A {strides = array<i32>} : memref<49664x16xf32, #tpu.memory_space<vmem>>, vector<512x16xf32>,
      %mul3A_151 = arith.constant 2 : i32
      %mul3A_152 = arith.muli %mul3A_151, %while3A_32 : i32
      %add3A_153 = arith.addi %get3A_0, %mul3A_152 : i32
      %add3A_154 = arith.constant 1 : i32
      %add3A_155 = arith.addi %add3A_153, %add3A_154 : i32
      %get3A_156 = arith.index_cast %add3A_155 : i32 to index
      %get3A_157 = memref.load %arg1[%get3A_156] : memref<104xi32, #tpu.memory_space<smem>>
      %mul3A_158 = arith.constant 8 : i32
      %mul3A_159 = arith.muli %arg0, %mul3A_158 : i32
      %sub3A_160 = arith.subi %get3A_157, %mul3A_159 : i32
      %jit3A_161 = arith.constant 0 : i32
      %jit3A_162 = arith.constant 7 : i32
      %max3A_163 = arith.maxsi %jit3A_161, %sub3A_160 : i32
      %min3A_164 = arith.minsi %jit3A_162, %max3A_163 : i32
      %mul3A_165 = arith.constant 512 : i32
      %mul3A_166 = arith.muli %add3A_155, %mul3A_165 : i32
      %multiple_of3A_167 = tpu.assume_multiple %mul3A_166, 512 : i32
      %get3A_168 = arith.index_cast %multiple_of3A_167 : i32 to index
      %get3A_169 = arith.constant 0 : index
      %get3A_170 = vector.load %arg3[%get3A_168, %get3A_169] : memref<49664x16xf32, #tpu.memory_space<vmem>>, vector<512x16xf32>
      %convert_element_type3A_171 = arith.truncf %get3A_170 : vector<512x16xf32> to vector<512x16xbf16>
      %get3A_172 = arith.index_cast %get3A_157 : i32 to index
      %get3A_173 = arith.constant 0 : index
      %get3A_174 = arith.constant 0 : index
      %get3A_175 = vector.load %arg4[%get3A_172, %get3A_173, %get3A_174] : memref<64x256x16xbf16, #tpu.memory_space<vmem>>, vector<1x256x16xbf16>
      %get3A_176 = vector.shape_cast %get3A_175 : vector<1x256x16xbf16> to vector<256x16xbf16>
      %dot_general3A_177 = arith.constant dense<0.000000e+00> : vector<512x256xf32>
      %dot_general3A_178 = tpu.matmul %convert_element_type3A_171, %get3A_176, %dot_general3A_177 {dimension_numbers = #tpu.dot_dimension_numbers<[1], [1], [0], [0], [0, 0, 1, 0], [], []>, transpose_lhs_hint = false} : vector<512x16xbf16>, vector<256x16xbf16>, vector<512x256xf32> -> vector<512x256xf32>
      %get3A_179 = arith.index_cast %get3A_157 : i32 to index
      %get3A_180 = arith.constant 0 : index
      %get3A_181 = arith.constant 0 : index
      %get3A_182 = vector.load %arg5[%get3A_179, %get3A_180, %get3A_181] : memref<64x1x256xf32, #tpu.memory_space<vmem>>, vector<1x1x256xf32>
      %get3A_183 = vector.shape_cast %get3A_182 : vector<1x1x256xf32> to vector<1x256xf32>
      %add3A_184 = vector.broadcast %get3A_183 : vector<1x256xf32> to vector<512x256xf32>
      %add3A_185 = arith.addf %dot_general3A_178, %add3A_184 : vector<512x256xf32>
      %max3A_186 = arith.constant 0.000000e+00 : f32
      %max3A_187 = vector.broadcast %max3A_186 : f32 to vector<512x256xf32>
      %max3A_188 = arith.maximumf %add3A_185, %max3A_187 : vector<512x256xf32>
      %convert_element_type3A_189 = arith.truncf %max3A_188 : vector<512x256xf32> to vector<512x256xbf16>
      %get3A_190 = arith.index_cast %min3A_164 : i32 to index
      %get3A_191 = arith.constant 0 : index
      %get3A_192 = arith.constant 0 : index
      %get3A_193 = arith.constant 0 : index
      %get3A_194 = vector.load %arg6[%get3A_190, %get3A_191, %get3A_192, %get3A_193] : memref<8x3x256x256xbf16, #tpu.memory_space<vmem>>, vector<1x1x256x256xbf16>
      %get3A_195 = vector.shape_cast %get3A_194 : vector<1x1x256x256xbf16> to vector<256x256xbf16>
      %dot_general3A_196 = arith.constant dense<0.000000e+00> : vector<512x256xf32>
      %dot_general3A_197 = tpu.matmul %convert_element_type3A_189, %get3A_195, %dot_general3A_196 {dimension_numbers = #tpu.dot_dimension_numbers<[1], [1], [0], [0], [0, 0, 1, 0], [], []>, transpose_lhs_hint = false} : vector<512x256xbf16>, vector<256x256xbf16>, vector<512x256xf32> -> vector<512x256xf32>
      %get3A_198 = arith.index_cast %get3A_157 : i32 to index
      %get3A_199 = arith.constant 0 : index
      %get3A_200 = arith.constant 0 : index
      %get3A_201 = vector.load %arg7[%get3A_198, %get3A_199, %get3A_200] : memref<64x3x256xf32, #tpu.memory_space<vmem>>, vector<1x1x256xf32>
      %get3A_202 = vector.shape_cast %get3A_201 : vector<1x1x256xf32> to vector<1x256xf32>
      %add3A_203 = vector.broadcast %get3A_202 : vector<1x256xf32> to vector<512x256xf32>
      %add3A_204 = arith.addf %dot_general3A_197, %add3A_203 : vector<512x256xf32>
      %max3A_205 = arith.constant 0.000000e+00 : f32
      %max3A_206 = vector.broadcast %max3A_205 : f32 to vector<512x256xf32>
      %max3A_207 = arith.maximumf %add3A_204, %max3A_206 : vector<512x256xf32>
      %convert_element_type3A_208 = arith.truncf %max3A_207 : vector<512x256xf32> to vector<512x256xbf16>
      %get3A_209 = arith.index_cast %get3A_157 : i32 to index
      %get3A_210 = arith.constant 0 : index
      %get3A_211 = arith.constant 0 : index
      %get3A_212 = vector.load %arg8[%get3A_209, %get3A_210, %get3A_211] : memref<64x8x256xbf16, #tpu.memory_space<vmem>>, vector<1x8x256xbf16>
      %get3A_213 = vector.shape_cast %get3A_212 : vector<1x8x256xbf16> to vector<8x256xbf16>
      %dot_general3A_214 = arith.constant dense<0.000000e+00> : vector<512x8xf32>
      %dot_general3A_215 = tpu.matmul %convert_element_type3A_208, %get3A_213, %dot_general3A_214 {dimension_numbers = #tpu.dot_dimension_numbers<[1], [1], [0], [0], [0, 0, 1, 0], [], []>, transpose_lhs_hint = false} : vector<512x256xbf16>, vector<8x256xbf16>, vector<512x8xf32> -> vector<512x8xf32>
      %get3A_216 = arith.index_cast %get3A_157 : i32 to index
      %get3A_217 = arith.constant 0 : index
      %get3A_218 = arith.constant 0 : index
      %get3A_219 = vector.load %arg9[%get3A_216, %get3A_217, %get3A_218] : memref<64x1x8xf32, #tpu.memory_space<vmem>>, vector<1x1x8xf32>
      %get3A_220 = vector.shape_cast %get3A_219 : vector<1x1x8xf32> to vector<1x8xf32>
      %add3A_221 = vector.broadcast %get3A_220 : vector<1x8xf32> to vector<512x8xf32>
      %add3A_222 = arith.addf %dot_general3A_215, %add3A_221 : vector<512x8xf32>
      %get3A_223 = arith.index_cast %min3A_164 : i32 to index
      %get3A_224 = arith.constant 1 : index
      %get3A_225 = arith.constant 0 : index
      %get3A_226 = arith.constant 0 : index
      %get3A_227 = vector.load %arg6[%get3A_223, %get3A_224, %get3A_225, %get3A_226] : memref<8x3x256x256xbf16, #tpu.memory_space<vmem>>, vector<1x1x256x256xbf16>
      %get3A_228 = vector.shape_cast %get3A_227 : vector<1x1x256x256xbf16> to vector<256x256xbf16>
      %dot_general3A_229 = arith.constant dense<0.000000e+00> : vector<512x256xf32>
      %dot_general3A_230 = tpu.matmul %convert_element_type3A_208, %get3A_228, %dot_general3A_229 {dimension_numbers = #tpu.dot_dimension_numbers<[1], [1], [0], [0], [0, 0, 1, 0], [], []>, transpose_lhs_hint = false} : vector<512x256xbf16>, vector<256x256xbf16>, vector<512x256xf32> -> vector<512x256xf32>
      %get3A_231 = arith.index_cast %get3A_157 : i32 to index
      %get3A_232 = arith.constant 1 : index
      %get3A_233 = arith.constant 0 : index
      %get3A_234 = vector.load %arg7[%get3A_231, %get3A_232, %get3A_233] : memref<64x3x256xf32, #tpu.memory_space<vmem>>, vector<1x1x256xf32>
      %get3A_235 = vector.shape_cast %get3A_234 : vector<1x1x256xf32> to vector<1x256xf32>
      %add3A_236 = vector.broadcast %get3A_235 : vector<1x256xf32> to vector<512x256xf32>
      %add3A_237 = arith.addf %dot_general3A_230, %add3A_236 : vector<512x256xf32>
      %max3A_238 = arith.constant 0.000000e+00 : f32
      %max3A_239 = vector.broadcast %max3A_238 : f32 to vector<512x256xf32>
      %max3A_240 = arith.maximumf %add3A_237, %max3A_239 : vector<512x256xf32>
      %convert_element_type3A_241 = arith.truncf %max3A_240 : vector<512x256xf32> to vector<512x256xbf16>
      %get3A_242 = arith.index_cast %min3A_164 : i32 to index
      %get3A_243 = arith.constant 2 : index
      %get3A_244 = arith.constant 0 : index
      %get3A_245 = arith.constant 0 : index
      %get3A_246 = vector.load %arg6[%get3A_242, %get3A_243, %get3A_244, %get3A_245] : memref<8x3x256x256xbf16, #tpu.memory_space<vmem>>, vector<1x1x256x256xbf16>
      %get3A_247 = vector.shape_cast %get3A_246 : vector<1x1x256x256xbf16> to vector<256x256xbf16>
      %dot_general3A_248 = arith.constant dense<0.000000e+00> : vector<512x256xf32>
      %dot_general3A_249 = tpu.matmul %convert_element_type3A_241, %get3A_247, %dot_general3A_248 {dimension_numbers = #tpu.dot_dimension_numbers<[1], [1], [0], [0], [0, 0, 1, 0], [], []>, transpose_lhs_hint = false} : vector<512x256xbf16>, vector<256x256xbf16>, vector<512x256xf32> -> vector<512x256xf32>
      %get3A_250 = arith.index_cast %get3A_157 : i32 to index
      %get3A_251 = arith.constant 2 : index
      %get3A_252 = arith.constant 0 : index
      %get3A_253 = vector.load %arg7[%get3A_250, %get3A_251, %get3A_252] : memref<64x3x256xf32, #tpu.memory_space<vmem>>, vector<1x1x256xf32>
      %get3A_254 = vector.shape_cast %get3A_253 : vector<1x1x256xf32> to vector<1x256xf32>
      %add3A_255 = vector.broadcast %get3A_254 : vector<1x256xf32> to vector<512x256xf32>
      %add3A_256 = arith.addf %dot_general3A_249, %add3A_255 : vector<512x256xf32>
      %max3A_257 = arith.constant 0.000000e+00 : f32
      %max3A_258 = vector.broadcast %max3A_257 : f32 to vector<512x256xf32>
      %max3A_259 = arith.maximumf %add3A_256, %max3A_258 : vector<512x256xf32>
      %convert_element_type3A_260 = arith.truncf %max3A_259 : vector<512x256xf32> to vector<512x256xbf16>
      %get3A_261 = arith.index_cast %get3A_157 : i32 to index
      %get3A_262 = arith.constant 0 : index
      %get3A_263 = arith.constant 0 : index
      %get3A_264 = vector.load %arg8[%get3A_261, %get3A_262, %get3A_263] : memref<64x8x256xbf16, #tpu.memory_space<vmem>>, vector<1x8x256xbf16>
      %get3A_265 = vector.shape_cast %get3A_264 : vector<1x8x256xbf16> to vector<8x256xbf16>
      %dot_general3A_266 = arith.constant dense<0.000000e+00> : vector<512x8xf32>
      %dot_general3A_267 = tpu.matmul %convert_element_type3A_260, %get3A_265, %dot_general3A_266 {dimension_numbers = #tpu.dot_dimension_numbers<[1], [1], [0], [0], [0, 0, 1, 0], [], []>, transpose_lhs_hint = false} : vector<512x256xbf16>, vector<8x256xbf16>, vector<512x8xf32> -> vector<512x8xf32>
      %get3A_268 = arith.index_cast %get3A_157 : i32 to index
      %get3A_269 = arith.constant 0 : index
      %get3A_270 = arith.constant 0 : index
      %get3A_271 = vector.load %arg9[%get3A_268, %get3A_269, %get3A_270] : memref<64x1x8xf32, #tpu.memory_space<vmem>>, vector<1x1x8xf32>
      %get3A_272 = vector.shape_cast %get3A_271 : vector<1x1x8xf32> to vector<1x8xf32>
      %add3A_273 = vector.broadcast %get3A_272 : vector<1x8xf32> to vector<512x8xf32>
      %add3A_274 = arith.addf %dot_general3A_267, %add3A_273 : vector<512x8xf32>
      %concatenate3A_275 = tpu.concatenate %add3A_222, %add3A_274 in 1 : vector<512x8xf32>, vector<512x8xf32> -> vector<512x16xf32>
      %swap3A_276 = arith.index_cast %multiple_of3A_167 : i32 to index
      %swap3A_277 = arith.constant 0 : index
      %swap3A_278 = vector.load %arg10[%swap3A_276, %swap3A_277] : memref<49664x16xf32, #tpu.memory_space<vmem>>, vector<512x16xf32>
      tpu.vector_store %arg10[%swap3A_276, %swap3A_277], %concatenate3A_275 {strides = array<i32>} : memref<49664x16xf32, #tpu.memory_space<vmem>>, vector<512x16xf32>,
    }
    return
  }
  func.func @transform_0(%arg0: i32, %arg1: memref<104xi32, #tpu.memory_space<smem>>, %arg2: memref<16xi32, #tpu.memory_space<smem>>) -> (i32, i32) {
    %c0_i32 = arith.constant 0 : i32
    %c0_i32_0 = arith.constant 0 : i32
    %c0_i32_1 = arith.constant 0 : i32
    return %c0_i32, %c0_i32_0 : i32, i32
  }
  func.func @transform_1(%arg0: i32, %arg1: memref<104xi32, #tpu.memory_space<smem>>, %arg2: memref<16xi32, #tpu.memory_space<smem>>) -> (i32, i32, i32) {
    %c0_i32 = arith.constant 0 : i32
    %c0_i32_0 = arith.constant 0 : i32
    %c0_i32_1 = arith.constant 0 : i32
    %c0_i32_2 = arith.constant 0 : i32
    return %c0_i32, %c0_i32_0, %c0_i32_1 : i32, i32, i32
  }
  func.func @transform_2(%arg0: i32, %arg1: memref<104xi32, #tpu.memory_space<smem>>, %arg2: memref<16xi32, #tpu.memory_space<smem>>) -> (i32, i32, i32) {
    %c0_i32 = arith.constant 0 : i32
    %c0_i32_0 = arith.constant 0 : i32
    %c0_i32_1 = arith.constant 0 : i32
    %c0_i32_2 = arith.constant 0 : i32
    return %c0_i32, %c0_i32_0, %c0_i32_1 : i32, i32, i32
  }
  func.func @transform_3(%arg0: i32, %arg1: memref<104xi32, #tpu.memory_space<smem>>, %arg2: memref<16xi32, #tpu.memory_space<smem>>) -> (i32, i32, i32, i32) {
    %c0_i32 = arith.constant 0 : i32
    %c0_i32_0 = arith.constant 0 : i32
    %c0_i32_1 = arith.constant 0 : i32
    %c0_i32_2 = arith.constant 0 : i32
    return %arg0, %c0_i32, %c0_i32_0, %c0_i32_1 : i32, i32, i32, i32
  }
  func.func @transform_4(%arg0: i32, %arg1: memref<104xi32, #tpu.memory_space<smem>>, %arg2: memref<16xi32, #tpu.memory_space<smem>>) -> (i32, i32, i32) {
    %c0_i32 = arith.constant 0 : i32
    %c0_i32_0 = arith.constant 0 : i32
    %c0_i32_1 = arith.constant 0 : i32
    %c0_i32_2 = arith.constant 0 : i32
    return %c0_i32, %c0_i32_0, %c0_i32_1 : i32, i32, i32
  }
  func.func @transform_5(%arg0: i32, %arg1: memref<104xi32, #tpu.memory_space<smem>>, %arg2: memref<16xi32, #tpu.memory_space<smem>>) -> (i32, i32, i32) {
    %c0_i32 = arith.constant 0 : i32
    %c0_i32_0 = arith.constant 0 : i32
    %c0_i32_1 = arith.constant 0 : i32
    %c0_i32_2 = arith.constant 0 : i32
    return %c0_i32, %c0_i32_0, %c0_i32_1 : i32, i32, i32
  }
  func.func @transform_6(%arg0: i32, %arg1: memref<104xi32, #tpu.memory_space<smem>>, %arg2: memref<16xi32, #tpu.memory_space<smem>>) -> (i32, i32, i32) {
    %c0_i32 = arith.constant 0 : i32
    %c0_i32_0 = arith.constant 0 : i32
    %c0_i32_1 = arith.constant 0 : i32
    %c0_i32_2 = arith.constant 0 : i32
    return %c0_i32, %c0_i32_0, %c0_i32_1 : i32, i32, i32
  }
  func.func @transform_7(%arg0: i32, %arg1: memref<104xi32, #tpu.memory_space<smem>>, %arg2: memref<16xi32, #tpu.memory_space<smem>>) -> (i32, i32) {
    %c0_i32 = arith.constant 0 : i32
    %c0_i32_0 = arith.constant 0 : i32
    %c0_i32_1 = arith.constant 0 : i32
    return %c0_i32, %c0_i32_0 : i32, i32
  }
}

</mosaic_0001>

<sc_bundles>
// kernel: kernel.6.cloned.1.call-start
scs
__scs_entry_jumppad:
0x0: {  	(pc) =	sbr.rel $0x88, $3  }
0x1: {  	(tag) =	ssettag $0x0;
	lr =	simm.s32 $0x1  }
0x2: {  	[smem:$0x3F96] =	sst lr;
	_ =	strace $0xD0000000  }
0x3: {  	_ = 	snop  }
0x4: {  	_ = 	snop  }
0x5: {  	_ = 	snop  }
0x6: {  	_ = 	snop  }
0x7: {  	_ = 	snop  }
__scs_overlays_trampoline_lowered:
0x8: {  	[smem:$0x3FA5] =	sst s0  }
0x9: {  	[smem:$0x3FA6] =	sst s1  }
0xa: {  	[smem:$0x3FA7] =	sst s2  }
0xb: {  	[smem:$0x3FA8] =	sst s3  }
0xc: {  	[smem:$0x3FA9] =	sst s4  }
0xd: {  	[smem:$0x3FAA] =	sst s5  }
0xe: {  	[smem:$0x3FAB] =	sst s6  }
0xf: {  	[smem:$0x3FAC] =	sst s7  }
0x10: {  	[smem:$0x3FAD] =	sst s8  }
0x11: {  	[smem:$0x3FAE] =	sst s9;
	s0 =	simm.s32 @!p0 $0x0  }
0x12: {  	s1 =	sld [smem:$0x3F94];
	s0 =	simm.s32 @p0 $0x1  }
0x13: {  	[smem:$0x3FAF] =	sst s0;
	s0 =	simm.s32 @!p1 $0x0  }
0x14: {  	s2 =	sld [smem:$0x3F93];
	s0 =	simm.s32 @p1 $0x1  }
0x15: {  	[smem:$0x3FB0] =	sst s0;
	s0 =	simm.s32 @!p2 $0x0  }
0x16: {  	s3 =	sld [smem:$0x3FDB];
	s0 =	simm.s32 @p2 $0x1  }
0x17: {  	s4 =	simm.s32 $0x1BF5;
	[smem:$0x3FB2] =	sst s0  }
0x18: {  	s0 =	sld [smem:$0x3F95];
	_ =	swait.ge [sflag:s4], $0x0  }
0x19: {  	s7 =	sld [smem:$0x3F96]  }
0x1a: {  	s8 =	sadd.s32 $0xFFFFE003, lr  }
0x1b: {  	s9 =	sadd.s32 $0xFFFFFEF7, lr;
	s5 =	simm.s32 $0xFFFFFFFF;
	p2 =	slt.u32 s8, $0xFFFFF086  }
0x1c: {  	p1 =	slt.u32 s9, $0xF7A;
	s5 =	simm.s32 @!p2 $0x0  }
0x1d: {  	s5 =	simm.s32 @p1 $0x1;
	p0 =	seq.s32 s7, s2  }
0x1e: {  	s7 =	smul.u32 @!p0 $0xF7A, s2;
	p2 =	seq.s32 @!p0 s5, $0x0  }
0x1f: {  	s9 =	smul.u32 $0xF7A, s1;
	s8 =	simm.s32 @!p0 $0x1BF5;
	p2 =	por !p2, p0  }
0x20: {  	[sflag:s8] =	ssyncset.s32 @!p0 $0xFFFFF086;
	s6 =	sadd.s32 @!p0 s3, s7;
	s7 =	simm.s32 @!p0 $0x108  }
0x21: {  	s3 =	sadd.s32 s3, s9;
	s6 =	sadd.s32 @!p0 $0x88, s6;
	s7 =	simm.s32 @p2 $0x1082  }
0x22: {  	[simem:s7], [sflag:s8] =	dma.local @!p0 [hbm:s6], $0xF7A  }
0x23: {  	s9 =	sor.u32 $0xD0000000, s2;
	s6 =	simm.s32 $0x108;
	_ =	swait.ge @!p0 [sflag:s8], $0x0  }
0x24: {  	s3 =	sadd.s32 $0x88, s3;
	s6 =	simm.s32 @!p1 $0x1082;
	[sflag:s4] =	ssyncset.s32 $0xFFFFF086  }
0x25: {  	[simem:s6], [sflag:s4] =	dma.local [hbm:s3], $0xF7A  }
0x26: {  	[smem:$0x3F96] =	sst s1;
	(tag) =	ssettag s2;
	_ =	strace s9  }
0x27: {  	s1 =	sld [smem:$0x3FA6]  }
0x28: {  	s2 =	sld [smem:$0x3FA7]  }
0x29: {  	s4 =	sld [smem:$0x3FA9]  }
0x2a: {  	p0 =	seq.s32 s5, $0x0;
	s5 =	sld [smem:$0x3FAA]  }
0x2b: {  	s6 =	sld [smem:$0x3FAB]  }
0x2c: {  	s7 =	sld [smem:$0x3FAC]  }
0x2d: {  	s3 =	simm.s32 $0x108;
	s8 =	sld [smem:$0x3FAD]  }
0x2e: {  	s3 =	simm.s32 @!p0 $0x1082;
	s9 =	sld [smem:$0x3FAE]  }
0x2f: {  	lr =	sadd.s32 s0, s3;
	s0 =	sld [smem:$0x3FA5]  }
0x30: {  	s3 =	sld [smem:$0x3FA8]  }
0x31: {  	[smem:$0x3FB1] =	sst s10  }
0x32: {  	s10 =	sld [smem:$0x3FAF];
	_ =	sdelay $0x3  }
0x33: {  	p0 =	seq.s32 s10, $0x1;
	s10 =	sld [smem:$0x3FB1];
	_ =	sdelay $0x3  }
0x34: {  	[smem:$0x3FB1] =	sst s10  }
0x35: {  	s10 =	sld [smem:$0x3FB0];
	_ =	sdelay $0x3  }
0x36: {  	p1 =	seq.s32 s10, $0x1;
	s10 =	sld [smem:$0x3FB1];
	_ =	sdelay $0x3  }
0x37: {  	[smem:$0x3FB1] =	sst s10  }
0x38: {  	s10 =	sld [smem:$0x3FB2]  }
0x39: {  	_ = 	snop;
	(pc) =	sbr.ind lr, $3  }
0x3a: {  	_ = 	snop  }
0x3b: {  	_ = 	snop  }
0x3c: {  	p2 =	seq.s32 s10, $0x1;
	s10 =	sld [smem:$0x3FB1]  }
0x3d: {  	_ =	shalt  }
0x3e: {  	_ =	shalt  }
0x3f: {  	_ =	shalt  }
0x40: {  	_ =	shalt  }
0x41: {  	_ =	shalt  }
0x42: {  	_ =	shalt  }
0x43: {  	_ =	shalt  }
0x44: {  	_ =	shalt  }
0x45: {  	_ =	shalt  }
0x46: {  	_ =	shalt  }
0x47: {  	_ =	shalt  }
0x48: {  	_ =	shalt  }
0x49: {  	_ =	shalt  }
0x4a: {  	_ =	shalt  }
0x4b: {  	_ =	shalt  }
0x4c: {  	_ =	shalt  }
0x4d: {  	_ =	shalt  }
0x4e: {  	_ =	shalt  }
0x4f: {  	_ =	shalt  }
0x50: {  	_ =	shalt  }
0x51: {  	_ =	shalt  }
0x52: {  	_ =	shalt  }
0x53: {  	_ =	shalt  }
0x54: {  	_ =	shalt  }
0x55: {  	_ =	shalt  }
0x56: {  	_ =	shalt  }
0x57: {  	_ =	shalt  }
0x58: {  	_ =	shalt  }
0x59: {  	_ =	shalt  }
0x5a: {  	_ =	shalt  }
0x5b: {  	_ =	shalt  }
0x5c: {  	_ =	shalt  }
0x5d: {  	_ =	shalt  }
0x5e: {  	_ =	shalt  }
0x5f: {  	_ =	shalt  }
0x60: {  	_ =	shalt  }
0x61: {  	_ =	shalt  }
0x62: {  	_ =	shalt  }
0x63: {  	_ =	shalt  }
0x64: {  	_ =	shalt  }
0x65: {  	_ =	shalt  }
0x66: {  	_ =	shalt  }
0x67: {  	_ =	shalt  }
0x68: {  	_ =	shalt  }
0x69: {  	_ =	shalt  }
0x6a: {  	_ =	shalt  }
0x6b: {  	_ =	shalt  }
0x6c: {  	_ =	shalt  }
0x6d: {  	_ =	shalt  }
0x6e: {  	_ =	shalt  }
0x6f: {  	_ =	shalt  }
0x70: {  	_ =	shalt  }
0x71: {  	_ =	shalt  }
0x72: {  	_ =	shalt  }
0x73: {  	_ =	shalt  }
0x74: {  	_ =	shalt  }
0x75: {  	_ =	shalt  }
0x76: {  	_ =	shalt  }
0x77: {  	_ =	shalt  }
0x78: {  	_ =	shalt  }
0x79: {  	_ =	shalt  }
0x7a: {  	_ =	shalt  }
0x7b: {  	_ =	shalt  }
0x7c: {  	_ =	shalt  }
0x7d: {  	_ =	shalt  }
0x7e: {  	_ =	shalt  }
0x7f: {  	_ =	shalt  }
0x80: {  	_ =	shalt  }
0x81: {  	_ =	shalt  }
0x82: {  	_ =	shalt  }
0x83: {  	_ =	shalt  }
0x84: {  	_ =	shalt  }
0x85: {  	_ =	shalt  }
0x86: {  	_ =	shalt  }
0x87: {  	_ =	shalt  }
.Lfunc_end0:
.L_simem_size_0:
called_computation_lowered:
.L_overlay_start_0:
0x88: {  	s2 =	sld [smem:$0x3FD9]  }
0x89: {  	s3 =	sld [smem:$0x3FFE];
	_ =	sdelay $0x1  }
0x8a: {  	s1 =	srdreg.scid  }
0x8b: {  	s0 =	sand.u32 $0x1, s1  }
0x8c: {  	s14 =	sshll.u32 s0, $0xA;
	s2 =	sadd.s32 s3, s2  }
0x8d: {  	s2 =	sadd.s32 s2, s14  }
0x8e: {  	[smem:$0x3FBD] =	sst s2  }
0x8f: {  	_ = 	snop  }
0x90: {  	s2 =	sld [smem:$0x3FD0];
	_ =	sdelay $0x2  }
0x91: {  	s15 =	simm.s32 $0xA;
	s4 =	simm.s32 $0x10  }
0x92: {  	[smem:s4], [sflag:s15] =	dma.local [hbm:s2], $0x1  }
0x93: {  	_ =	swait.eq [sflag:s15], $0x1  }
0x94: {  	[sflag:s15] =	ssyncset.done $0x0  }
0x95: {  	[sflag:s15] =	ssyncadd.s32 $0xFFFFFFFF  }
0x96: {  	s16 =	sld [smem:$0x12];
	(tm) =	ssettm $0x1  }
0x97: {  	s17 =	sld [smem:$0x3FFB];
	_ =	sdelay $0x3  }
0x98: {  	_ =	strace s17  }
0x99: {  	s3 =	sld [smem:$0x3FFC];
	_ =	sdelay $0x3  }
0x9a: {  	_ =	strace s3  }
0x9b: {  	s3 =	sld [smem:$0x3FFD];
	_ =	sdelay $0x3  }
0x9c: {  	_ =	strace s3  }
0x9d: {  	_ =	strace $0x8FFFFFFF  }
0x9e: {  	s18 =	sld [smem:$0x3FDB];
	_ =	sdelay $0x1  }
0x9f: {  	s19 =	simm.s32 $_scs_section_size  }
0xa0: {  	s5 =	simm.s32 $_size__tile_overlayer_lowered;
	s6 =	simm.s32 $_tile_overlayer_lowered  }
0xa1: {  	s22 =	simm.s32 $0x1BFF;
	s21 =	sshll.u32 s6, $0x1;
	s3 =	sadd.s32 s19, s18  }
0xa2: {  	s7 =	simm.s32 $0x0;
	s20 =	sshll.u32 s5, $0x1;
	s5 =	sadd.s32 s21, s3  }
0xa3: {  	[timem:s7], [sflag:s22] =	dma.local [hbm:s5], s20  }
0xa4: {  	_ =	swait.ge [sflag:s22], s20  }
0xa5: {  	s4 =	ssub.s32 $0x0, s20;
	[sflag:s22] =	ssyncset.done $0x0  }
0xa6: {  	[sflag:s22] =	ssyncadd.s32 s4;
	_ =	sdelay $0x1  }
0xa7: {  	s23 =	simm.s32 $0x1B8B  }
0xa8: {  	_ =	swait.ge [sflag:s23], $0x1  }
0xa9: {  	[sflag:s23] =	ssyncset.done $0x0  }
0xaa: {  	s25 =	simm.s32 $0x1B8E;
	s24 =	sld [smem:$0x3FFE];
	[sflag:s23] =	ssyncadd.s32 $0xFFFFFFFF  }
0xab: {  	s26 =	simm.s32 $execute0_lowered;
	[smem:$0x3FD2] =	sst s25  }
0xac: {  	s5 =	sshll.u32 s26, $0x1;
	_ =	strace $0x80000046;
	[dreg:$0x1] =	wrdreg $0xFFFFFFFF  }
0xad: {  	s28 =	simm.s32 $_size_execute0_lowered;
	s3 =	sadd.s32 s3, s5;
	[dreg:$0x0] =	wrdreg $0x0  }
0xae: {  	s5 =	sshll.u32 s28, $0x1;
	[dreg:$0x2] =	wrdreg s3  }
0xaf: {  	[dreg:$0x3] =	wrdreg s5  }
0xb0: {  	[dreg:$0x4] =	wrdreg $0xC0  }
0xb1: {  	_ =	task [dreg:s7], $0x5FFFF  }
0xb2: {  	[dreg:$0x1] =	wrdreg $0xFFFFFFFF  }
0xb3: {  	[dreg:$0x0] =	wrdreg $0x60  }
0xb4: {  	[dreg:$0x2] =	wrdreg s24  }
0xb5: {  	[dreg:$0x3] =	wrdreg s16  }
0xb6: {  	[dreg:$0x4] =	wrdreg $0x9  }
0xb7: {  	_ =	task.clear_ibuf [dreg:s7], $0x5FFFF;
	_ =	strace $0x90000046  }
0xb8: {  	s29 =	simm.s32 $0x9;
	_ =	strace $0x80000048  }
0xb9: {  	_ =	swait.ge [sflag:s29], $0x1  }
0xba: {  	[sflag:s29] =	ssyncadd.s32 $0xFFFFFFFF  }
0xbb: {  	_ =	strace $0x90000048  }
0xbc: {  	_ =	sfence  }
0xbd: {  	s30 =	sld [smem:$0x0];
	_ =	sdelay $0x2  }
0xbe: {  	s31 =	sshll.u32 s1, $0xD;
	s1 =	sshrl.u32 s1, $0x2  }
0xbf: {  	s3 =	sand.u32 $0x4000, s31;
	s1 =	sadd.s32 s1, s30  }
0xc0: {  	s0 =	sor.u32 s3, s0;
	s1 =	sshll.u32 s1, $0x11  }
0xc1: {  	s0 =	sor.u32 s1, s0  }
0xc2: {  	s0 =	sadd.s32 $0x8F2B, s0  }
0xc3: {  	[sflag:s0] =	ssyncadd.remote.s32 $0x1  }
0xc4: {  	_ =	sfence.sel $0xFFFF  }
0xc5: {  	[dreg:$0x0] =	wrdreg $0xFFFFFFFF;
	(pc) =	sbr.abs _section_cstart, $3  }
0xc6: {  	[dreg:$0x1] =	wrdreg $0xFFFFFFFF  }
0xc7: {  	_ =	task.clear_ibuf [dreg:s7], $0x2FFFF;
	_ =	strace $0x9FFFFFFF  }
0xc8: {  	(tm) =	ssettm $0x7FFFFFFF  }
0xc9: {  	_ =	shalt  }
tec
execute0_lowered:
.L_overlay_start_1:
0x0: {  	(tag) =	ssettag $0x1  }
0x1: {  	s1 =	srdreg.scid;
	s0 =	stileid.u32  }
0x2: {  	s15 =	sand.u32 $0x1, s1;
	s31 =	sshll.u32 s0, $0x1  }
0x3: {  	s6 =	rddreg [dreg:$0x0];
	s7 =	sor.u32 s15, s31  }
0x4: {  	s2 =	rddreg [dreg:$0x1];
	s3 =	simm.s32 $0x0;
	s4 =	sshll.u32 s7, $0x6  }
0x5: {  	s5 =	simm.s32 $0x2;
	[smem:$0x7FF] =	sst s3;
	s4 =	sadd.s32 s4, s6  }
0x6: {  	s1 =	rddreg [dreg:$0x2];
	_ =	strace $0x80000047;
	s4 =	sadd.s32 $0x9A00, s4  }
0x7: {  	[tilespmem:s3], [sflag:$0x2] =	stream.linear.gather [hbm4b:s4+s3], $0x200, $0x38;
	[tilespmem:$0x2200] =	vst v63  }
0x8: {  	s7 =	sshll.u32 s7, $0xA;
	_ =	swait.ge [sflag:s5], $0x200  }
0x9: {  	s6 =	sadd.s32 s7, s6;
	[sflag:s5] =	ssyncset.done $0x0  }
0xa: {  	s7 =	simm.s32 $0x200;
	s6 =	sadd.s32 $0x1A00, s6;
	[sflag:s5] =	ssyncadd.s32 $0xFFFFFE00  }
0xb: {  	[tilespmem:s7], [sflag:$0x2] =	stream.linear.gather [hbm4b:s6+s3], $0x2000, $0x38;
	[tilespmem:$0x2200] =	vst v63  }
0xc: {  	_ =	swait.ge [sflag:s5], $0x2000  }
0xd: {  	[sflag:s5] =	ssyncset.done $0x0  }
0xe: {  	s8 =	simm.s32 $0x80;
	[sflag:s5] =	ssyncadd.s32 $0xFFFFE000  }
0xf: {  	[hbm4b:s2+s8] =	stream.indirect.scatter [tilespmem:s7], [sflag:$0x1], $0x10, s3, s8, $0xb8;
	[tilespmem:$0x2200] =	vst v63  }
0x10: {  	s9 =	simm.s32 $0xA00  }
0x11: {  	[hbm4b:s2+s8] =	stream.indirect.scatter [tilespmem:s9], [sflag:$0x1], $0x10, s8, s8, $0xb8;
	[tilespmem:$0x2200] =	vst v63  }
0x12: {  	s10 =	simm.s32 $0x100;
	s11 =	simm.s32 $0x1200  }
0x13: {  	[hbm4b:s2+s8] =	stream.indirect.scatter [tilespmem:s11], [sflag:$0x1], $0x10, s10, s8, $0xb8;
	[tilespmem:$0x2200] =	vst v63  }
0x14: {  	s12 =	simm.s32 $0x180;
	s14 =	simm.s32 $0x1A00;
	s13 =	simm.s32 $0x1  }
0x15: {  	[hbm4b:s2+s8] =	stream.indirect.scatter [tilespmem:s14], [sflag:$0x1], $0x10, s12, s8, $0xb8;
	[tilespmem:$0x2200] =	vst v63  }
0x16: {  	_ =	swait.ge [sflag:s13], $0x800  }
0x17: {  	s15 =	ssub.s32 $0x2, s15;
	[sflag:s13] =	ssyncset.done $0x0  }
0x18: {  	s16 =	sshrl.u32 s15, $0x1;
	[sflag:s13] =	ssyncadd.s32 $0xFFFFF800  }
0x19: {  	s15 =	ssub.s32 s15, s16;
	_ =	swait.ge [sflag:s13], $0x800  }
0x1a: {  	s15 =	smax.u32 s15, $0x1;
	[sflag:s13] =	ssyncset.done $0x0  }
0x1b: {  	p0 =	sne.s32 s15, $0x1;
	[sflag:s13] =	ssyncadd.s32 $0xFFFFF800  }
.Ltmp0:
0x1c: {  	_ =	swait.ge [sflag:s13], $0x800;
	(pc) =	sbr.rel @!p0 .LBB2_2-.Ltmp0, $4  }
0x1d: {  	[sflag:s13] =	ssyncset.done $0x0  }
0x1e: {  	[sflag:s13] =	ssyncadd.s32 $0xFFFFF800  }
0x1f: {  	_ =	swait.ge [sflag:s13], $0x800  }
0x20: {  	s15 =	sadd.s32 $0xFFFFFFFF, s15;
	[sflag:s13] =	ssyncset.done $0x0  }
.LBB2_1:
0x21: {  	p0 =	sne.s32 s15, $0x1;
	s15 =	sadd.s32 $0xFFFFFFFF, s15;
	[sflag:s13] =	ssyncadd.s32 $0xFFFFF800  }
0x22: {  	[tilespmem:s3], [sflag:$0x2] =	stream.linear.gather [hbm4b:s4+s3], $0x200, $0x38;
	[tilespmem:$0x2200] =	vst v63  }
0x23: {  	_ =	swait.ge [sflag:s5], $0x200  }
0x24: {  	[sflag:s5] =	ssyncset.done $0x0  }
0x25: {  	[sflag:s5] =	ssyncadd.s32 $0xFFFFFE00  }
0x26: {  	[tilespmem:s7], [sflag:$0x2] =	stream.linear.gather [hbm4b:s6+s3], $0x2000, $0x38;
	[tilespmem:$0x2200] =	vst v63  }
0x27: {  	_ =	swait.ge [sflag:s5], $0x2000  }
0x28: {  	[sflag:s5] =	ssyncset.done $0x0  }
0x29: {  	[sflag:s5] =	ssyncadd.s32 $0xFFFFE000  }
0x2a: {  	[hbm4b:s2+s8] =	stream.indirect.scatter [tilespmem:s7], [sflag:$0x1], $0x10, s3, s8, $0xb8;
	[tilespmem:$0x2200] =	vst v63  }
0x2b: {  	_ = 	snop  }
0x2c: {  	[hbm4b:s2+s8] =	stream.indirect.scatter [tilespmem:s9], [sflag:$0x1], $0x10, s8, s8, $0xb8;
	[tilespmem:$0x2200] =	vst v63  }
0x2d: {  	_ = 	snop  }
0x2e: {  	[hbm4b:s2+s8] =	stream.indirect.scatter [tilespmem:s11], [sflag:$0x1], $0x10, s10, s8, $0xb8;
	[tilespmem:$0x2200] =	vst v63  }
0x2f: {  	_ = 	snop  }
0x30: {  	[hbm4b:s2+s8] =	stream.indirect.scatter [tilespmem:s14], [sflag:$0x1], $0x10, s12, s8, $0xb8;
	[tilespmem:$0x2200] =	vst v63  }
0x31: {  	_ =	swait.ge [sflag:s13], $0x800  }
0x32: {  	[sflag:s13] =	ssyncset.done $0x0  }
0x33: {  	[sflag:s13] =	ssyncadd.s32 $0xFFFFF800  }
0x34: {  	_ =	swait.ge [sflag:s13], $0x800  }
0x35: {  	[sflag:s13] =	ssyncset.done $0x0  }
0x36: {  	[sflag:s13] =	ssyncadd.s32 $0xFFFFF800  }
.Ltmp1:
0x37: {  	_ =	swait.ge [sflag:s13], $0x800;
	(pc) =	sbr.rel @p0 .LBB2_1-.Ltmp1, $4  }
0x38: {  	[sflag:s13] =	ssyncset.done $0x0  }
0x39: {  	[sflag:s13] =	ssyncadd.s32 $0xFFFFF800  }
0x3a: {  	_ =	swait.ge [sflag:s13], $0x800  }
0x3b: {  	[sflag:s13] =	ssyncset.done $0x0  }
.LBB2_2:
0x3c: {  	[sflag:s13] =	ssyncadd.s32 $0xFFFFF800  }
0x3d: {  	_ =	sfence.sel $0x180000  }
0x3e: {  	[bflag:$0x0] =	sbarrier.arrive $0xFFFF  }
0x3f: {  	p0 =	sne.s32 s0, $0x0;
	_ =	strace $0x90000047  }
0x40: {  	s0 =	sadd.s32 @!p0 $0x100000, s1;
	[bflag:$0x2] =	sbarrier.arrive $0xFFFF  }
0x41: {  	[sflag:s0] =	ssyncadd.tile.s32 @!p0 $0x1;
	_ =	shalt  }
.Lfunc_end2:
_tile_overlayer_lowered:
.L_overlay_start_2:
0x42: {  	(tag) =	ssettag $0x2  }
0x43: {  	s0 =	rddreg [dreg:$0x0];
	s2 =	stileid.u32  }
0x44: {  	s1 =	rddreg [dreg:$0x1];
	p0 =	sne.s32 s2, $0x0  }
0x45: {  	s3 =	rddreg [dreg:$0x2];
	[bflag:$0x3] =	sbarrier.arrive $0xFFFF;
	s2 =	simm.s32 @!p0 $0x1C02  }
0x46: {  	[timem:s3], [sflag:s2] =	dma.local @!p0 [hbm:s0], s1  }
0x47: {  	s0 =	simm.s32 @!p0 $0x2  }
0x48: {  	_ =	swait.ge @!p0 [sflag:s0], s1  }
0x49: {  	s1 =	ssub.s32 @!p0 $0x0, s1;
	[sflag:s0] =	ssyncset.done @!p0 $0x0  }
0x4a: {  	[sflag:s0] =	ssyncadd.s32 @!p0 s1  }
0x4b: {  	[bflag:$0x3] =	sbarrier.arrive $0xFFFF  }
0x4c: {  	_ =	shalt  }

// kernel: kernel.9.cloned.1.call-start
scs
__scs_entry_jumppad:
0x0: {  	(pc) =	sbr.rel $0x88, $3  }
0x1: {  	(tag) =	ssettag $0x0;
	lr =	simm.s32 $0x1  }
0x2: {  	[smem:$0x3F96] =	sst lr;
	_ =	strace $0xD0000000  }
0x3: {  	_ = 	snop  }
0x4: {  	_ = 	snop  }
0x5: {  	_ = 	snop  }
0x6: {  	_ = 	snop  }
0x7: {  	_ = 	snop  }
__scs_overlays_trampoline_lowered:
0x8: {  	[smem:$0x3FA5] =	sst s0  }
0x9: {  	[smem:$0x3FA6] =	sst s1  }
0xa: {  	[smem:$0x3FA7] =	sst s2  }
0xb: {  	[smem:$0x3FA8] =	sst s3  }
0xc: {  	[smem:$0x3FA9] =	sst s4  }
0xd: {  	[smem:$0x3FAA] =	sst s5  }
0xe: {  	[smem:$0x3FAB] =	sst s6  }
0xf: {  	[smem:$0x3FAC] =	sst s7  }
0x10: {  	[smem:$0x3FAD] =	sst s8  }
0x11: {  	[smem:$0x3FAE] =	sst s9;
	s0 =	simm.s32 @!p0 $0x0  }
0x12: {  	s1 =	sld [smem:$0x3F94];
	s0 =	simm.s32 @p0 $0x1  }
0x13: {  	[smem:$0x3FAF] =	sst s0;
	s0 =	simm.s32 @!p1 $0x0  }
0x14: {  	s2 =	sld [smem:$0x3F93];
	s0 =	simm.s32 @p1 $0x1  }
0x15: {  	[smem:$0x3FB0] =	sst s0;
	s0 =	simm.s32 @!p2 $0x0  }
0x16: {  	s3 =	sld [smem:$0x3FDB];
	s0 =	simm.s32 @p2 $0x1  }
0x17: {  	s4 =	simm.s32 $0x1BF5;
	[smem:$0x3FB2] =	sst s0  }
0x18: {  	s0 =	sld [smem:$0x3F95];
	_ =	swait.ge [sflag:s4], $0x0  }
0x19: {  	s7 =	sld [smem:$0x3F96]  }
0x1a: {  	s8 =	sadd.s32 $0xFFFFE003, lr  }
0x1b: {  	s9 =	sadd.s32 $0xFFFFFEF7, lr;
	s5 =	simm.s32 $0xFFFFFFFF;
	p2 =	slt.u32 s8, $0xFFFFF086  }
0x1c: {  	p1 =	slt.u32 s9, $0xF7A;
	s5 =	simm.s32 @!p2 $0x0  }
0x1d: {  	s5 =	simm.s32 @p1 $0x1;
	p0 =	seq.s32 s7, s2  }
0x1e: {  	s7 =	smul.u32 @!p0 $0xF7A, s2;
	p2 =	seq.s32 @!p0 s5, $0x0  }
0x1f: {  	s9 =	smul.u32 $0xF7A, s1;
	s8 =	simm.s32 @!p0 $0x1BF5;
	p2 =	por !p2, p0  }
0x20: {  	[sflag:s8] =	ssyncset.s32 @!p0 $0xFFFFF086;
	s6 =	sadd.s32 @!p0 s3, s7;
	s7 =	simm.s32 @!p0 $0x108  }
0x21: {  	s3 =	sadd.s32 s3, s9;
	s6 =	sadd.s32 @!p0 $0x88, s6;
	s7 =	simm.s32 @p2 $0x1082  }
0x22: {  	[simem:s7], [sflag:s8] =	dma.local @!p0 [hbm:s6], $0xF7A  }
0x23: {  	s9 =	sor.u32 $0xD0000000, s2;
	s6 =	simm.s32 $0x108;
	_ =	swait.ge @!p0 [sflag:s8], $0x0  }
0x24: {  	s3 =	sadd.s32 $0x88, s3;
	s6 =	simm.s32 @!p1 $0x1082;
	[sflag:s4] =	ssyncset.s32 $0xFFFFF086  }
0x25: {  	[simem:s6], [sflag:s4] =	dma.local [hbm:s3], $0xF7A  }
0x26: {  	[smem:$0x3F96] =	sst s1;
	(tag) =	ssettag s2;
	_ =	strace s9  }
0x27: {  	s1 =	sld [smem:$0x3FA6]  }
0x28: {  	s2 =	sld [smem:$0x3FA7]  }
0x29: {  	s4 =	sld [smem:$0x3FA9]  }
0x2a: {  	p0 =	seq.s32 s5, $0x0;
	s5 =	sld [smem:$0x3FAA]  }
0x2b: {  	s6 =	sld [smem:$0x3FAB]  }
0x2c: {  	s7 =	sld [smem:$0x3FAC]  }
0x2d: {  	s3 =	simm.s32 $0x108;
	s8 =	sld [smem:$0x3FAD]  }
0x2e: {  	s3 =	simm.s32 @!p0 $0x1082;
	s9 =	sld [smem:$0x3FAE]  }
0x2f: {  	lr =	sadd.s32 s0, s3;
	s0 =	sld [smem:$0x3FA5]  }
0x30: {  	s3 =	sld [smem:$0x3FA8]  }
0x31: {  	[smem:$0x3FB1] =	sst s10  }
0x32: {  	s10 =	sld [smem:$0x3FAF];
	_ =	sdelay $0x3  }
0x33: {  	p0 =	seq.s32 s10, $0x1;
	s10 =	sld [smem:$0x3FB1];
	_ =	sdelay $0x3  }
0x34: {  	[smem:$0x3FB1] =	sst s10  }
0x35: {  	s10 =	sld [smem:$0x3FB0];
	_ =	sdelay $0x3  }
0x36: {  	p1 =	seq.s32 s10, $0x1;
	s10 =	sld [smem:$0x3FB1];
	_ =	sdelay $0x3  }
0x37: {  	[smem:$0x3FB1] =	sst s10  }
0x38: {  	s10 =	sld [smem:$0x3FB2]  }
0x39: {  	_ = 	snop;
	(pc) =	sbr.ind lr, $3  }
0x3a: {  	_ = 	snop  }
0x3b: {  	_ = 	snop  }
0x3c: {  	p2 =	seq.s32 s10, $0x1;
	s10 =	sld [smem:$0x3FB1]  }
0x3d: {  	_ =	shalt  }
0x3e: {  	_ =	shalt  }
0x3f: {  	_ =	shalt  }
0x40: {  	_ =	shalt  }
0x41: {  	_ =	shalt  }
0x42: {  	_ =	shalt  }
0x43: {  	_ =	shalt  }
0x44: {  	_ =	shalt  }
0x45: {  	_ =	shalt  }
0x46: {  	_ =	shalt  }
0x47: {  	_ =	shalt  }
0x48: {  	_ =	shalt  }
0x49: {  	_ =	shalt  }
0x4a: {  	_ =	shalt  }
0x4b: {  	_ =	shalt  }
0x4c: {  	_ =	shalt  }
0x4d: {  	_ =	shalt  }
0x4e: {  	_ =	shalt  }
0x4f: {  	_ =	shalt  }
0x50: {  	_ =	shalt  }
0x51: {  	_ =	shalt  }
0x52: {  	_ =	shalt  }
0x53: {  	_ =	shalt  }
0x54: {  	_ =	shalt  }
0x55: {  	_ =	shalt  }
0x56: {  	_ =	shalt  }
0x57: {  	_ =	shalt  }
0x58: {  	_ =	shalt  }
0x59: {  	_ =	shalt  }
0x5a: {  	_ =	shalt  }
0x5b: {  	_ =	shalt  }
0x5c: {  	_ =	shalt  }
0x5d: {  	_ =	shalt  }
0x5e: {  	_ =	shalt  }
0x5f: {  	_ =	shalt  }
0x60: {  	_ =	shalt  }
0x61: {  	_ =	shalt  }
0x62: {  	_ =	shalt  }
0x63: {  	_ =	shalt  }
0x64: {  	_ =	shalt  }
0x65: {  	_ =	shalt  }
0x66: {  	_ =	shalt  }
0x67: {  	_ =	shalt  }
0x68: {  	_ =	shalt  }
0x69: {  	_ =	shalt  }
0x6a: {  	_ =	shalt  }
0x6b: {  	_ =	shalt  }
0x6c: {  	_ =	shalt  }
0x6d: {  	_ =	shalt  }
0x6e: {  	_ =	shalt  }
0x6f: {  	_ =	shalt  }
0x70: {  	_ =	shalt  }
0x71: {  	_ =	shalt  }
0x72: {  	_ =	shalt  }
0x73: {  	_ =	shalt  }
0x74: {  	_ =	shalt  }
0x75: {  	_ =	shalt  }
0x76: {  	_ =	shalt  }
0x77: {  	_ =	shalt  }
0x78: {  	_ =	shalt  }
0x79: {  	_ =	shalt  }
0x7a: {  	_ =	shalt  }
0x7b: {  	_ =	shalt  }
0x7c: {  	_ =	shalt  }
0x7d: {  	_ =	shalt  }
0x7e: {  	_ =	shalt  }
0x7f: {  	_ =	shalt  }
0x80: {  	_ =	shalt  }
0x81: {  	_ =	shalt  }
0x82: {  	_ =	shalt  }
0x83: {  	_ =	shalt  }
0x84: {  	_ =	shalt  }
0x85: {  	_ =	shalt  }
0x86: {  	_ =	shalt  }
0x87: {  	_ =	shalt  }
.Lfunc_end0:
.L_simem_size_0:
called_computation.1_lowered:
.L_overlay_start_0:
0x88: {  	s2 =	sld [smem:$0x3FD9]  }
0x89: {  	s3 =	sld [smem:$0x3FFE];
	_ =	sdelay $0x1  }
0x8a: {  	s1 =	srdreg.scid  }
0x8b: {  	s0 =	sand.u32 $0x1, s1  }
0x8c: {  	s14 =	sshll.u32 s0, $0xA;
	s2 =	sadd.s32 s3, s2  }
0x8d: {  	s2 =	sadd.s32 s2, s14  }
0x8e: {  	[smem:$0x3FBD] =	sst s2  }
0x8f: {  	_ = 	snop  }
0x90: {  	s2 =	sld [smem:$0x3FD0];
	_ =	sdelay $0x2  }
0x91: {  	s15 =	simm.s32 $0xA;
	s4 =	simm.s32 $0x10  }
0x92: {  	[smem:s4], [sflag:s15] =	dma.local [hbm:s2], $0x1  }
0x93: {  	_ =	swait.eq [sflag:s15], $0x1  }
0x94: {  	[sflag:s15] =	ssyncset.done $0x0  }
0x95: {  	s16 =	sld [smem:$0x12];
	[sflag:s15] =	ssyncadd.s32 $0xFFFFFFFF  }
0x96: {  	s17 =	sld [smem:$0x13];
	(tm) =	ssettm $0x1  }
0x97: {  	s18 =	sld [smem:$0x3FFB];
	_ =	sdelay $0x3  }
0x98: {  	_ =	strace s18  }
0x99: {  	s4 =	sld [smem:$0x3FFC];
	_ =	sdelay $0x3  }
0x9a: {  	_ =	strace s4  }
0x9b: {  	s4 =	sld [smem:$0x3FFD];
	_ =	sdelay $0x3  }
0x9c: {  	_ =	strace s4  }
0x9d: {  	_ =	strace $0x8FFFFFFF  }
0x9e: {  	s19 =	sld [smem:$0x3FDB];
	_ =	sdelay $0x1  }
0x9f: {  	s5 =	simm.s32 $_scs_section_size  }
0xa0: {  	s6 =	simm.s32 $_size__tile_overlayer_lowered;
	s7 =	simm.s32 $_tile_overlayer_lowered  }
0xa1: {  	s22 =	simm.s32 $0x1BFF;
	s21 =	sshll.u32 s7, $0x1;
	s4 =	sadd.s32 s5, s19  }
0xa2: {  	s8 =	simm.s32 $0x0;
	s20 =	sshll.u32 s6, $0x1;
	s6 =	sadd.s32 s21, s4  }
0xa3: {  	[timem:s8], [sflag:s22] =	dma.local [hbm:s6], s20  }
0xa4: {  	_ =	swait.ge [sflag:s22], s20  }
0xa5: {  	s5 =	ssub.s32 $0x0, s20;
	[sflag:s22] =	ssyncset.done $0x0  }
0xa6: {  	[sflag:s22] =	ssyncadd.s32 s5;
	_ =	sdelay $0x1  }
0xa7: {  	s23 =	simm.s32 $0x1B8B  }
0xa8: {  	_ =	swait.ge [sflag:s23], $0x1  }
0xa9: {  	[sflag:s23] =	ssyncset.done $0x0  }
0xaa: {  	s25 =	simm.s32 $0x1B8E;
	s24 =	sld [smem:$0x3FFE];
	[sflag:s23] =	ssyncadd.s32 $0xFFFFFFFF  }
0xab: {  	s26 =	simm.s32 $execute0_lowered;
	[smem:$0x3FD2] =	sst s25  }
0xac: {  	s6 =	sshll.u32 s26, $0x1;
	_ =	strace $0x80000049;
	[dreg:$0x1] =	wrdreg $0xFFFFFFFF  }
0xad: {  	s28 =	simm.s32 $_size_execute0_lowered;
	s4 =	sadd.s32 s4, s6;
	[dreg:$0x0] =	wrdreg $0x0  }
0xae: {  	s6 =	sshll.u32 s28, $0x1;
	[dreg:$0x2] =	wrdreg s4  }
0xaf: {  	[dreg:$0x3] =	wrdreg s6  }
0xb0: {  	[dreg:$0x4] =	wrdreg $0xC0  }
0xb1: {  	_ =	task [dreg:s8], $0x5FFFF  }
0xb2: {  	[dreg:$0x1] =	wrdreg $0xFFFFFFFF  }
0xb3: {  	[dreg:$0x0] =	wrdreg $0x60  }
0xb4: {  	[dreg:$0x2] =	wrdreg s17  }
0xb5: {  	[dreg:$0x3] =	wrdreg s24  }
0xb6: {  	[dreg:$0x4] =	wrdreg s16  }
0xb7: {  	[dreg:$0x5] =	wrdreg $0x9  }
0xb8: {  	_ =	task.clear_ibuf [dreg:s8], $0x6FFFF;
	_ =	strace $0x90000049  }
0xb9: {  	s29 =	simm.s32 $0x9;
	_ =	strace $0x8000004B  }
0xba: {  	_ =	swait.ge [sflag:s29], $0x1  }
0xbb: {  	[sflag:s29] =	ssyncadd.s32 $0xFFFFFFFF  }
0xbc: {  	_ =	strace $0x9000004B  }
0xbd: {  	_ =	sfence  }
0xbe: {  	s30 =	sld [smem:$0x0];
	_ =	sdelay $0x2  }
0xbf: {  	s31 =	sshll.u32 s1, $0xD;
	s1 =	sshrl.u32 s1, $0x2  }
0xc0: {  	s3 =	sand.u32 $0x4000, s31;
	s1 =	sadd.s32 s1, s30  }
0xc1: {  	s0 =	sor.u32 s3, s0;
	s1 =	sshll.u32 s1, $0x11  }
0xc2: {  	s0 =	sor.u32 s1, s0  }
0xc3: {  	s0 =	sadd.s32 $0x8F2B, s0  }
0xc4: {  	[sflag:s0] =	ssyncadd.remote.s32 $0x1  }
0xc5: {  	_ =	sfence.sel $0xFFFF  }
0xc6: {  	[dreg:$0x0] =	wrdreg $0xFFFFFFFF;
	(pc) =	sbr.abs _section_cstart, $3  }
0xc7: {  	[dreg:$0x1] =	wrdreg $0xFFFFFFFF  }
0xc8: {  	_ =	task.clear_ibuf [dreg:s8], $0x2FFFF;
	_ =	strace $0x9FFFFFFF  }
0xc9: {  	(tm) =	ssettm $0x7FFFFFFF  }
tec
execute0_lowered:
.L_overlay_start_1:
0x0: {  	(tag) =	ssettag $0x1  }
0x1: {  	s1 =	rddreg [dreg:$0x0]  }
0x2: {  	s2 =	srdreg.scid;
	s0 =	stileid.u32  }
0x3: {  	s4 =	rddreg [dreg:$0x1];
	s14 =	sand.u32 $0x1, s2;
	s29 =	sshll.u32 s0, $0x1  }
0x4: {  	s15 =	rddreg [dreg:$0x2];
	s16 =	sor.u32 s14, s29  }
0x5: {  	s3 =	simm.s32 $0x0;
	s2 =	rddreg [dreg:$0x3];
	s5 =	sshll.u32 s16, $0x6  }
0x6: {  	[smem:$0x7FF] =	sst s3;
	s4 =	sadd.s32 s5, s4  }
0x7: {  	_ =	strace $0x8000004A;
	s5 =	sadd.s32 $0x9A00, s4;
	s4 =	simm.s32 $0x2  }
0x8: {  	[tilespmem:s3], [sflag:$0x2] =	stream.linear.gather [hbm4b:s5+s3], $0x200, $0x38;
	[tilespmem:$0x2200] =	vst v63  }
0x9: {  	_ =	swait.ge [sflag:s4], $0x200  }
0xa: {  	[sflag:s4] =	ssyncset.done $0x0  }
0xb: {  	s6 =	simm.s32 $0x80;
	s7 =	simm.s32 $0x200;
	[sflag:s4] =	ssyncadd.s32 $0xFFFFFE00  }
0xc: {  	[tilespmem:s7], [sflag:$0x1] =	stream.indirect.gather [hbm4b:s1+s6], $0x10, s3, s6, $0xb8;
	[tilespmem:$0x2200] =	vst v63  }
0xd: {  	s8 =	simm.s32 $0xA00  }
0xe: {  	[tilespmem:s8], [sflag:$0x1] =	stream.indirect.gather [hbm4b:s1+s6], $0x10, s6, s6, $0xb8;
	[tilespmem:$0x2200] =	vst v63  }
0xf: {  	s9 =	simm.s32 $0x100;
	s10 =	simm.s32 $0x1200  }
0x10: {  	[tilespmem:s10], [sflag:$0x1] =	stream.indirect.gather [hbm4b:s1+s6], $0x10, s9, s6, $0xb8;
	[tilespmem:$0x2200] =	vst v63  }
0x11: {  	s11 =	simm.s32 $0x180;
	s12 =	simm.s32 $0x1A00;
	s13 =	simm.s32 $0x1  }
0x12: {  	[tilespmem:s12], [sflag:$0x1] =	stream.indirect.gather [hbm4b:s1+s6], $0x10, s11, s6, $0xb8;
	[tilespmem:$0x2200] =	vst v63  }
0x13: {  	_ =	swait.ge [sflag:s13], $0x800  }
0x14: {  	[sflag:s13] =	ssyncset.done $0x0  }
0x15: {  	[sflag:s13] =	ssyncadd.s32 $0xFFFFF800  }
0x16: {  	_ =	swait.ge [sflag:s13], $0x800  }
0x17: {  	[sflag:s13] =	ssyncset.done $0x0  }
0x18: {  	s14 =	ssub.s32 $0x2, s14;
	[sflag:s13] =	ssyncadd.s32 $0xFFFFF800  }
0x19: {  	s17 =	sshrl.u32 s14, $0x1;
	_ =	swait.ge [sflag:s13], $0x800  }
0x1a: {  	s17 =	ssub.s32 s14, s17;
	[sflag:s13] =	ssyncset.done $0x0  }
0x1b: {  	s31 =	smax.u32 s17, $0x1;
	[sflag:s13] =	ssyncadd.s32 $0xFFFFF800  }
0x1c: {  	p0 =	sne.s32 s31, $0x1;
	_ =	swait.ge [sflag:s13], $0x800  }
.Ltmp0:
0x1d: {  	s30 =	sshll.u32 s16, $0xA;
	[sflag:s13] =	ssyncset.done $0x0;
	(pc) =	sbr.rel @!p0 .LBB2_2-.Ltmp0, $4  }
0x1e: {  	s14 =	sadd.s32 s15, s30;
	[sflag:s13] =	ssyncadd.s32 $0xFFFFF800  }
0x1f: {  	[hbm4b:s14+s3] =	stream.linear.scatter [tilespmem:s7], [sflag:$0x2], $0x2000, $0x38;
	[tilespmem:$0x2200] =	vst v63  }
0x20: {  	_ =	swait.ge [sflag:s4], $0x2000  }
0x21: {  	s15 =	sadd.s32 $0xFFFFFFFF, s31;
	[sflag:s4] =	ssyncset.done $0x0  }
.LBB2_1:
0x22: {  	p0 =	sne.s32 s15, $0x1;
	s15 =	sadd.s32 $0xFFFFFFFF, s15;
	[sflag:s4] =	ssyncadd.s32 $0xFFFFE000  }
0x23: {  	[tilespmem:s3], [sflag:$0x2] =	stream.linear.gather [hbm4b:s5+s3], $0x200, $0x38;
	[tilespmem:$0x2200] =	vst v63  }
0x24: {  	_ =	swait.ge [sflag:s4], $0x200  }
0x25: {  	[sflag:s4] =	ssyncset.done $0x0  }
0x26: {  	[sflag:s4] =	ssyncadd.s32 $0xFFFFFE00  }
0x27: {  	[tilespmem:s7], [sflag:$0x1] =	stream.indirect.gather [hbm4b:s1+s6], $0x10, s3, s6, $0xb8;
	[tilespmem:$0x2200] =	vst v63  }
0x28: {  	_ = 	snop  }
0x29: {  	[tilespmem:s8], [sflag:$0x1] =	stream.indirect.gather [hbm4b:s1+s6], $0x10, s6, s6, $0xb8;
	[tilespmem:$0x2200] =	vst v63  }
0x2a: {  	_ = 	snop  }
0x2b: {  	[tilespmem:s10], [sflag:$0x1] =	stream.indirect.gather [hbm4b:s1+s6], $0x10, s9, s6, $0xb8;
	[tilespmem:$0x2200] =	vst v63  }
0x2c: {  	_ = 	snop  }
0x2d: {  	[tilespmem:s12], [sflag:$0x1] =	stream.indirect.gather [hbm4b:s1+s6], $0x10, s11, s6, $0xb8;
	[tilespmem:$0x2200] =	vst v63  }
0x2e: {  	_ =	swait.ge [sflag:s13], $0x800  }
0x2f: {  	[sflag:s13] =	ssyncset.done $0x0  }
0x30: {  	[sflag:s13] =	ssyncadd.s32 $0xFFFFF800  }
0x31: {  	_ =	swait.ge [sflag:s13], $0x800  }
0x32: {  	[sflag:s13] =	ssyncset.done $0x0  }
0x33: {  	[sflag:s13] =	ssyncadd.s32 $0xFFFFF800  }
0x34: {  	_ =	swait.ge [sflag:s13], $0x800  }
0x35: {  	[sflag:s13] =	ssyncset.done $0x0  }
0x36: {  	[sflag:s13] =	ssyncadd.s32 $0xFFFFF800  }
0x37: {  	_ =	swait.ge [sflag:s13], $0x800  }
.Ltmp1:
0x38: {  	[sflag:s13] =	ssyncset.done $0x0;
	(pc) =	sbr.rel @p0 .LBB2_1-.Ltmp1, $4  }
0x39: {  	[sflag:s13] =	ssyncadd.s32 $0xFFFFF800  }
0x3a: {  	[hbm4b:s14+s3] =	stream.linear.scatter [tilespmem:s7], [sflag:$0x2], $0x2000, $0x38;
	[tilespmem:$0x2200] =	vst v63  }
0x3b: {  	_ =	swait.ge [sflag:s4], $0x2000  }
0x3c: {  	[sflag:s4] =	ssyncset.done $0x0  }
.LBB2_2:
0x3d: {  	[sflag:s4] =	ssyncadd.s32 $0xFFFFE000  }
0x3e: {  	_ =	sfence.sel $0x180000  }
0x3f: {  	[bflag:$0x0] =	sbarrier.arrive $0xFFFF  }
0x40: {  	p0 =	sne.s32 s0, $0x0;
	_ =	strace $0x9000004A  }
0x41: {  	s0 =	sadd.s32 @!p0 $0x100000, s2;
	[bflag:$0x2] =	sbarrier.arrive $0xFFFF  }
0x42: {  	[sflag:s0] =	ssyncadd.tile.s32 @!p0 $0x1;
	_ =	shalt  }
.Lfunc_end2:
_tile_overlayer_lowered:
.L_overlay_start_2:
0x43: {  	(tag) =	ssettag $0x2  }
0x44: {  	s0 =	rddreg [dreg:$0x0];
	s2 =	stileid.u32  }
0x45: {  	s1 =	rddreg [dreg:$0x1];
	p0 =	sne.s32 s2, $0x0  }
0x46: {  	s3 =	rddreg [dreg:$0x2];
	[bflag:$0x3] =	sbarrier.arrive $0xFFFF;
	s2 =	simm.s32 @!p0 $0x1C02  }
0x47: {  	[timem:s3], [sflag:s2] =	dma.local @!p0 [hbm:s0], s1  }
0x48: {  	s0 =	simm.s32 @!p0 $0x2  }
0x49: {  	_ =	swait.ge @!p0 [sflag:s0], s1  }
0x4a: {  	s1 =	ssub.s32 @!p0 $0x0, s1;
	[sflag:s0] =	ssyncset.done @!p0 $0x0  }
0x4b: {  	[sflag:s0] =	ssyncadd.s32 @!p0 s1  }
0x4c: {  	[bflag:$0x3] =	sbarrier.arrive $0xFFFF  }
0x4d: {  	_ =	shalt  }

</sc_bundles>
